<compile_context>
chip_gen: v7x
topology: tpu7x:2x2x1
jax: 0.10.2.dev20260603
libtpu: 0.0.44.dev20260713+nightly
codegen_flags: <defaults>
</compile_context>

<pallas_src>
import functools

import jax
import jax.numpy as jnp
from jax import lax
from jax.experimental import pallas as pl
from jax.experimental.pallas import tpu as pltpu
from jax.experimental.pallas import tpu_sc as plsc

N = 100000
D = 128
WINDOW = 400
NWIN = N // WINDOW


def _sc_lookup(chi, emb_weight):
    mesh = plsc.VectorSubcoreMesh(core_axis_name="c", subcore_axis_name="s")
    chi3d = chi.reshape(NWIN, 1, WINDOW)

    @functools.partial(
        pl.kernel,
        mesh=mesh,
        out_type=jax.ShapeDtypeStruct((N, D), jnp.float32),
        scratch_types=[
            pltpu.VMEM_SHARED((3, D), jnp.float32),
        ],
    )
    def k(table_hbm, idx_hbm, out_hbm, table_sh):
        @pl.when(lax.axis_index("s") == 0)
        def _():
            pltpu.sync_copy(table_hbm, table_sh)

        plsc.subcore_barrier()

        def body(i_vmem, o_vmem):
            pltpu.sync_copy(table_sh.at[i_vmem.at[0, 0]], o_vmem)

        pltpu.emit_pipeline(
            body,
            grid=(NWIN,),
            in_specs=[pl.BlockSpec((1, 1, WINDOW), index_map=lambda i: (i, 0, 0))],
            out_specs=[pl.BlockSpec((WINDOW, D), index_map=lambda i: (i, 0))],
            core_axis_name=("c", "s"),
            dimension_semantics=(pltpu.PARALLEL,),
        )(idx_hbm, out_hbm)

    return k(emb_weight, chi3d)


def kernel(chi, emb_weight):
    chi = chi.astype(jnp.int32)
    emb_weight = emb_weight.astype(jnp.float32)
    return _sc_lookup(chi, emb_weight)

# --- scband reference (transcript-rebuilt; emitter-appended) ---
"""Pipeline reference for scband-feaembed-55387898250011 (READ-ONLY COPY).

The authoritative reference and input builder live on the scoring server;
editing this copy changes nothing except your own understanding.
"""

import jax, jax.numpy as jnp
import numpy as np
from math import sqrt

N = 100000
HIDDEN = 128
VOCAB = 3

def setup_inputs(seed: int = 0) -> dict:
    key = jax.random.key(seed)
    k1, k2 = jax.random.split(key)
    chi = jax.random.randint(k1, (N,), 0, VOCAB, dtype=jnp.int64 if jax.config.jax_enable_x64 else jnp.int32)
    emb_weight = jax.random.uniform(k2, (VOCAB, HIDDEN), dtype=jnp.float32, minval=-sqrt(3.0), maxval=sqrt(3.0))
    return {"chi": chi, "emb_weight": emb_weight}

def reference(chi, emb_weight):
    # faithful translation of feaembed.forward with use_node_features=True:
    # chi = self.emb(chi)
    out = jnp.take(emb_weight, chi, axis=0)
    return out

if __name__ == "__main__":
    import jax
    _d = setup_inputs()
    print(jax.jit(kernel)(*tuple(_d.values())))

</pallas_src>

<mosaic_0001>
#map = affine_map<(d0, d1) -> (0, 0)>
#map1 = affine_map<(d0, d1) -> (0, 0, 0)>
module attributes {stable_mosaic.version = 14 : i64} {
  func.func @k(%arg0: i32, %arg1: i32, %arg2: memref<3x128xf32, #tpu.memory_space<hbm>>, %arg3: memref<250x1x400xi32, #tpu.memory_space<hbm>>, %arg4: memref<100000x128xf32, #tpu.memory_space<hbm>>, %arg5: memref<3x128xf32, #tpu.memory_space<vmem_shared>>) attributes {dimension_semantics = [#tpu.dimension_semantics<core_parallel>, #tpu.dimension_semantics<subcore_parallel>], iteration_bounds = array<i64: 2, 16>, scalar_prefetch = 0 : i64, scratch_operands = 1 : i64, tpu.core_type = #tpu.core_type<sc_vector_subcore>, window_params = [{transform_indices = #map}, {transform_indices = #map1}, {transform_indices = #map}]} {
    %eq3A = arith.constant 0 : i32
    %eq3A_0 = arith.cmpi eq, %arg1, %eq3A : i32
    %convert_element_type3A = arith.extui %eq3A_0 : i1 to i32
    %cond3A = arith.constant 0 : i32
    %cond3A_1 = arith.cmpi ne, %convert_element_type3A, %cond3A : i32
    scf.if %cond3A_1 {
      "tpu.region"() ({
        %run_scoped3A = tpu.sem_alloc : memref<!tpu.dma_semaphore, #tpu.memory_space<semaphore_mem>>
        tpu.enqueue_dma source(%arg2 : memref<3x128xf32, #tpu.memory_space<hbm>>) target(%arg5 : memref<3x128xf32, #tpu.memory_space<vmem_shared>>) target_semaphore(%run_scoped3A : memref<!tpu.dma_semaphore, #tpu.memory_space<semaphore_mem>>)
        tpu.wait_dma2 semaphore(%run_scoped3A : memref<!tpu.dma_semaphore, #tpu.memory_space<semaphore_mem>>) src(%arg2 : memref<3x128xf32, #tpu.memory_space<hbm>>) dst(%arg5 : memref<3x128xf32, #tpu.memory_space<vmem_shared>>)
        tpu.yield
      }) : () -> ()
    } else {
    }
    %barrier3A = arith.constant 0 : index
    tpu.barrier barrier_id(%barrier3A)
    %mul3A = arith.constant 1 : i32
    %mul3A_2 = arith.muli %arg1, %mul3A : i32
    %add3A = arith.constant 0 : i32
    %add3A_3 = arith.addi %add3A, %mul3A_2 : i32
    %mul3A_4 = arith.constant 16 : i32
    %mul3A_5 = arith.muli %arg0, %mul3A_4 : i32
    %add3A_6 = arith.addi %add3A_3, %mul3A_5 : i32
    %lt3A = arith.constant 26 : i32
    %lt3A_7 = arith.cmpi slt, %add3A_6, %lt3A : i32
    %jit3A = arith.constant 8 : i32
    %jit3A_8 = arith.constant 7 : i32
    %select_n3A = arith.select %lt3A_7, %jit3A, %jit3A_8 : i32
    %lt3A_9 = arith.constant 26 : i32
    %lt3A_10 = arith.cmpi slt, %add3A_6, %lt3A_9 : i32
    %mul3A_11 = arith.muli %add3A_6, %select_n3A : i32
    %mul3A_12 = arith.constant 7 : i32
    %mul3A_13 = arith.muli %add3A_6, %mul3A_12 : i32
    %add3A_14 = arith.constant 26 : i32
    %add3A_15 = arith.addi %mul3A_13, %add3A_14 : i32
    %select_n3A_16 = arith.select %lt3A_10, %mul3A_11, %add3A_15 : i32
    %mul3A_17 = arith.constant 1 : i32
    %mul3A_18 = arith.muli %mul3A_17, %select_n3A : i32
    "tpu.region"() ({
      %run_scoped3A = memref.alloca() : memref<2x1x1x400xi32, #tpu.memory_space<vmem>>
      %run_scoped3A_19 = tpu.sem_alloc : memref<2x!tpu.dma_semaphore, #tpu.memory_space<semaphore_mem>>
      %run_scoped3A_20 = memref.alloca() : memref<2x400x128xf32, #tpu.memory_space<vmem>>
      %run_scoped3A_21 = tpu.sem_alloc : memref<2x!tpu.dma_semaphore, #tpu.memory_space<semaphore_mem>>
      %gt3A = arith.constant 0 : i32
      %gt3A_22 = arith.cmpi sgt, %mul3A_18, %gt3A : i32
      %convert_element_type3A_23 = arith.extui %gt3A_22 : i1 to i32
      %cond3A_24 = arith.constant 0 : i32
      %cond3A_25 = arith.cmpi ne, %convert_element_type3A_23, %cond3A_24 : i32
      scf.if %cond3A_25 {
        %mul3A_26 = arith.constant 1 : i32
        %mul3A_27 = arith.muli %mul3A_26, %select_n3A : i32
        %sub3A = arith.constant 1 : i32
        %sub3A_28 = arith.subi %mul3A_27, %sub3A : i32
        %eq3A_29 = arith.constant 0 : i32
        %eq3A_30 = arith.cmpi eq, %sub3A_28, %eq3A_29 : i32
        %add3A_31 = arith.constant 0 : i32
        %add3A_32 = arith.addi %add3A_31, %select_n3A_16 : i32
        %select_n3A_33 = arith.constant true
        %select_n3A_34 = arith.constant 0 : i32
        %select_n3A_35 = arith.constant -1 : i32
        %select_n3A_36 = arith.select %select_n3A_33, %select_n3A_35, %select_n3A_34 : i32
        %eq3A_37 = arith.constant -1 : i32
        %eq3A_38 = arith.cmpi eq, %select_n3A_36, %eq3A_37 : i32
        %sub3A_39 = arith.constant 1 : i32
        %sub3A_40 = arith.subi %select_n3A, %sub3A_39 : i32
        %select_n3A_41 = arith.select %eq3A_38, %sub3A_40, %select_n3A_36 : i32
        %add3A_42 = arith.addi %select_n3A_41, %select_n3A_16 : i32
        %select_n3A_43 = arith.constant true
        %select_n3A_44 = arith.constant 0 : i32
        %select_n3A_45 = arith.constant 1 : i32
        %select_n3A_46 = arith.select %select_n3A_43, %select_n3A_45, %select_n3A_44 : i32
        %eq3A_47 = arith.cmpi eq, %select_n3A_46, %select_n3A : i32
        %select_n3A_48 = arith.constant 0 : i32
        %select_n3A_49 = arith.select %eq3A_47, %select_n3A_48, %select_n3A_46 : i32
        %add3A_50 = arith.addi %select_n3A_49, %select_n3A_16 : i32
        %add3A_51 = arith.constant 1 : i32
        %add3A_52 = arith.addi %select_n3A_49, %add3A_51 : i32
        %select_n3A_53 = arith.constant true
        %select_n3A_54 = arith.select %select_n3A_53, %add3A_52, %select_n3A_49 : i32
        %eq3A_55 = arith.cmpi eq, %select_n3A_54, %select_n3A : i32
        %select_n3A_56 = arith.constant 0 : i32
        %select_n3A_57 = arith.select %eq3A_55, %select_n3A_56, %select_n3A_54 : i32
        %add3A_58 = arith.addi %select_n3A_57, %select_n3A_16 : i32
        "tpu.trace_start"() <{level = 10 : i32, message = "ep_initialize_0"}> : () -> ()
        %rem3A = arith.constant 0 : i32
        %rem3A_59 = arith.constant 2 : i32
        %rem3A_60 = arith.remui %rem3A, %rem3A_59 : i32
        %mul3A_61 = arith.constant 1 : i32
        %mul3A_62 = arith.muli %mul3A_61, %add3A_32 : i32
        %dma_start3A = arith.constant 0 : i32
        %dma_start3A_63 = arith.constant 0 : i32
        %dma_start3A_64 = arith.constant 0 : i32
        %dma_start3A_65 = tpu.memref_slice %run_scoped3A[%rem3A_60, %dma_start3A, %dma_start3A_63, %dma_start3A_64] : memref<2x1x1x400xi32, #tpu.memory_space<vmem>> -> memref<1x1x1x400xi32, #tpu.memory_space<vmem>>
        %dma_start3A_66 = tpu.memref_squeeze %dma_start3A_65 : memref<1x1x1x400xi32, #tpu.memory_space<vmem>> -> memref<1x1x400xi32, #tpu.memory_space<vmem>>
        %dma_start3A_67 = arith.constant 0 : i32
        %dma_start3A_68 = arith.constant 0 : i32
        %dma_start3A_69 = tpu.memref_slice %arg3[%mul3A_62, %dma_start3A_67, %dma_start3A_68] : memref<250x1x400xi32, #tpu.memory_space<hbm>> -> memref<1x1x400xi32, #tpu.memory_space<hbm>>
        %dma_start3A_70 = tpu.memref_slice %run_scoped3A_19[%rem3A_60] : memref<2x!tpu.dma_semaphore, #tpu.memory_space<semaphore_mem>> -> memref<1x!tpu.dma_semaphore, #tpu.memory_space<semaphore_mem>>
        %dma_start3A_71 = tpu.memref_squeeze %dma_start3A_70 : memref<1x!tpu.dma_semaphore, #tpu.memory_space<semaphore_mem>> -> memref<!tpu.dma_semaphore, #tpu.memory_space<semaphore_mem>>
        %dma_start3A_72 = arith.constant 0 : i32
        %dma_start3A_73 = arith.constant 0 : i32
        %dma_start3A_74 = arith.constant 0 : i32
        %dma_start3A_75 = tpu.memref_slice %run_scoped3A[%rem3A_60, %dma_start3A_72, %dma_start3A_73, %dma_start3A_74] : memref<2x1x1x400xi32, #tpu.memory_space<vmem>> -> memref<1x1x1x400xi32, #tpu.memory_space<vmem>>
        %dma_start3A_76 = tpu.memref_squeeze %dma_start3A_75 : memref<1x1x1x400xi32, #tpu.memory_space<vmem>> -> memref<1x1x400xi32, #tpu.memory_space<vmem>>
        %dma_start3A_77 = arith.constant 0 : i32
        %dma_start3A_78 = arith.constant 0 : i32
        %dma_start3A_79 = tpu.memref_slice %arg3[%mul3A_62, %dma_start3A_77, %dma_start3A_78] : memref<250x1x400xi32, #tpu.memory_space<hbm>> -> memref<1x1x400xi32, #tpu.memory_space<hbm>>
        tpu.enqueue_dma source(%dma_start3A_79 : memref<1x1x400xi32, #tpu.memory_space<hbm>>) target(%dma_start3A_76 : memref<1x1x400xi32, #tpu.memory_space<vmem>>) target_semaphore(%dma_start3A_71 : memref<!tpu.dma_semaphore, #tpu.memory_space<semaphore_mem>>)
        %add3A_80 = arith.constant 0 : i32
        %add3A_81 = arith.constant 1 : i32
        %add3A_82 = arith.addi %add3A_80, %add3A_81 : i32
        %select_n3A_83 = arith.constant true
        %select_n3A_84 = arith.constant 0 : i32
        %select_n3A_85 = arith.select %select_n3A_83, %add3A_82, %select_n3A_84 : i32
        %while3A = arith.constant 0 : i32
        %while3A_86 = arith.constant 0 : i32
        %while3A_87 = arith.constant 0 : i32
        %while3A_88 = arith.constant 0 : i32
        %while3A_89 = arith.constant 0 : i32
        "tpu.trace_stop"() : () -> ()
        %while3A_90 = arith.subi %mul3A_18, %while3A : i32
        %while3A_91 = arith.addi %while3A, %while3A_90 : i32
        %while3A_92 = arith.constant 1 : i32
        %while3A_93 = arith.divsi %while3A_90, %while3A_92 : i32
        %while3A_94 = arith.muli %while3A_93, %while3A_92 : i32
        %while3A_95 = arith.addi %while3A, %while3A_94 : i32
        %while3A_96 = arith.constant 1 : i32
        %while3A_97:5 = scf.for %while3A_151 = %while3A to %while3A_95 step %while3A_96 iter_args(%while3A_152 = %select_n3A_85, %while3A_153 = %while3A_86, %while3A_154 = %while3A_87, %while3A_155 = %while3A_88, %while3A_156 = %while3A_89) -> (i32, i32, i32, i32, i32)  : i32 {
          %mul3A_157 = arith.constant 1 : i32
          %mul3A_158 = arith.muli %mul3A_157, %select_n3A : i32
          %eq3A_159 = arith.constant 0 : i32
          %eq3A_160 = arith.cmpi eq, %while3A_151, %eq3A_159 : i32
          %sub3A_161 = arith.constant 1 : i32
          %sub3A_162 = arith.subi %mul3A_158, %sub3A_161 : i32
          %eq3A_163 = arith.cmpi eq, %while3A_151, %sub3A_162 : i32
          %add3A_164 = arith.addi %while3A_156, %select_n3A_16 : i32
          %sub3A_165 = arith.constant 1 : i32
          %sub3A_166 = arith.subi %while3A_156, %sub3A_165 : i32
          %select_n3A_167 = arith.constant true
          %select_n3A_168 = arith.select %select_n3A_167, %sub3A_166, %while3A_156 : i32
          %eq3A_169 = arith.constant -1 : i32
          %eq3A_170 = arith.cmpi eq, %select_n3A_168, %eq3A_169 : i32
          %sub3A_171 = arith.constant 1 : i32
          %sub3A_172 = arith.subi %select_n3A, %sub3A_171 : i32
          %select_n3A_173 = arith.select %eq3A_170, %sub3A_172, %select_n3A_168 : i32
          %add3A_174 = arith.addi %select_n3A_173, %select_n3A_16 : i32
          %add3A_175 = arith.constant 1 : i32
          %add3A_176 = arith.addi %while3A_156, %add3A_175 : i32
          %select_n3A_177 = arith.constant true
          %select_n3A_178 = arith.select %select_n3A_177, %add3A_176, %while3A_156 : i32
          %eq3A_179 = arith.cmpi eq, %select_n3A_178, %select_n3A : i32
          %select_n3A_180 = arith.constant 0 : i32
          %select_n3A_181 = arith.select %eq3A_179, %select_n3A_180, %select_n3A_178 : i32
          %add3A_182 = arith.addi %select_n3A_181, %select_n3A_16 : i32
          %add3A_183 = arith.constant 1 : i32
          %add3A_184 = arith.addi %select_n3A_181, %add3A_183 : i32
          %select_n3A_185 = arith.constant true
          %select_n3A_186 = arith.select %select_n3A_185, %add3A_184, %select_n3A_181 : i32
          %eq3A_187 = arith.cmpi eq, %select_n3A_186, %select_n3A : i32
          %select_n3A_188 = arith.constant 0 : i32
          %select_n3A_189 = arith.select %eq3A_187, %select_n3A_188, %select_n3A_186 : i32
          %add3A_190 = arith.addi %select_n3A_189, %select_n3A_16 : i32
          %ne3A = arith.cmpi ne, %add3A_164, %add3A_182 : i32
          %or3A = arith.constant false
          %or3A_191 = arith.ori %or3A, %ne3A : i1
          %or3A_192 = arith.constant false
          %or3A_193 = arith.ori %or3A_191, %or3A_192 : i1
          %or3A_194 = arith.constant false
          %or3A_195 = arith.ori %or3A_193, %or3A_194 : i1
          %sub3A_196 = arith.constant 2 : i32
          %sub3A_197 = arith.subi %mul3A_158, %sub3A_196 : i32
          %add3A_198 = arith.constant 1 : i32
          %add3A_199 = arith.addi %sub3A_197, %add3A_198 : i32
          %ge3A = arith.cmpi sge, %while3A_151, %add3A_199 : i32
          %not3A = arith.constant true
          %not3A_200 = arith.xori %ge3A, %not3A : i1
          %and3A = arith.andi %or3A_195, %not3A_200 : i1
          %convert_element_type3A_201 = arith.extui %and3A : i1 to i32
          %cond3A_202 = arith.constant 0 : i32
          %cond3A_203 = arith.cmpi ne, %convert_element_type3A_201, %cond3A_202 : i32
          scf.if %cond3A_203 {
            "tpu.trace_start"() <{level = 10 : i32, message = "ep_copy_in"}> : () -> ()
            %rem3A_324 = arith.constant 2 : i32
            %rem3A_325 = arith.remui %while3A_152, %rem3A_324 : i32
            %mul3A_326 = arith.constant 1 : i32
            %mul3A_327 = arith.muli %mul3A_326, %add3A_182 : i32
            %dma_start3A_328 = arith.constant 0 : i32
            %dma_start3A_329 = arith.constant 0 : i32
            %dma_start3A_330 = arith.constant 0 : i32
            %dma_start3A_331 = tpu.memref_slice %run_scoped3A[%rem3A_325, %dma_start3A_328, %dma_start3A_329, %dma_start3A_330] : memref<2x1x1x400xi32, #tpu.memory_space<vmem>> -> memref<1x1x1x400xi32, #tpu.memory_space<vmem>>
            %dma_start3A_332 = tpu.memref_squeeze %dma_start3A_331 : memref<1x1x1x400xi32, #tpu.memory_space<vmem>> -> memref<1x1x400xi32, #tpu.memory_space<vmem>>
            %dma_start3A_333 = arith.constant 0 : i32
            %dma_start3A_334 = arith.constant 0 : i32
            %dma_start3A_335 = tpu.memref_slice %arg3[%mul3A_327, %dma_start3A_333, %dma_start3A_334] : memref<250x1x400xi32, #tpu.memory_space<hbm>> -> memref<1x1x400xi32, #tpu.memory_space<hbm>>
            %dma_start3A_336 = tpu.memref_slice %run_scoped3A_19[%rem3A_325] : memref<2x!tpu.dma_semaphore, #tpu.memory_space<semaphore_mem>> -> memref<1x!tpu.dma_semaphore, #tpu.memory_space<semaphore_mem>>
            %dma_start3A_337 = tpu.memref_squeeze %dma_start3A_336 : memref<1x!tpu.dma_semaphore, #tpu.memory_space<semaphore_mem>> -> memref<!tpu.dma_semaphore, #tpu.memory_space<semaphore_mem>>
            %dma_start3A_338 = arith.constant 0 : i32
            %dma_start3A_339 = arith.constant 0 : i32
            %dma_start3A_340 = arith.constant 0 : i32
            %dma_start3A_341 = tpu.memref_slice %run_scoped3A[%rem3A_325, %dma_start3A_338, %dma_start3A_339, %dma_start3A_340] : memref<2x1x1x400xi32, #tpu.memory_space<vmem>> -> memref<1x1x1x400xi32, #tpu.memory_space<vmem>>
            %dma_start3A_342 = tpu.memref_squeeze %dma_start3A_341 : memref<1x1x1x400xi32, #tpu.memory_space<vmem>> -> memref<1x1x400xi32, #tpu.memory_space<vmem>>
            %dma_start3A_343 = arith.constant 0 : i32
            %dma_start3A_344 = arith.constant 0 : i32
            %dma_start3A_345 = tpu.memref_slice %arg3[%mul3A_327, %dma_start3A_343, %dma_start3A_344] : memref<250x1x400xi32, #tpu.memory_space<hbm>> -> memref<1x1x400xi32, #tpu.memory_space<hbm>>
            tpu.enqueue_dma source(%dma_start3A_345 : memref<1x1x400xi32, #tpu.memory_space<hbm>>) target(%dma_start3A_342 : memref<1x1x400xi32, #tpu.memory_space<vmem>>) target_semaphore(%dma_start3A_337 : memref<!tpu.dma_semaphore, #tpu.memory_space<semaphore_mem>>)
            "tpu.trace_stop"() : () -> ()
          } else {
          }
          %and3A_204 = arith.constant true
          %and3A_205 = arith.andi %and3A, %and3A_204 : i1
          %add3A_206 = arith.constant 1 : i32
          %add3A_207 = arith.addi %while3A_152, %add3A_206 : i32
          %select_n3A_208 = arith.select %and3A_205, %add3A_207, %while3A_152 : i32
          %ne3A_209 = arith.cmpi ne, %add3A_164, %add3A_182 : i32
          %or3A_210 = arith.constant false
          %or3A_211 = arith.ori %or3A_210, %ne3A_209 : i1
          %or3A_212 = arith.constant false
          %or3A_213 = arith.ori %or3A_211, %or3A_212 : i1
          %sub3A_214 = arith.constant 2 : i32
          %sub3A_215 = arith.subi %mul3A_158, %sub3A_214 : i32
          %add3A_216 = arith.constant 1 : i32
          %add3A_217 = arith.addi %sub3A_215, %add3A_216 : i32
          %ge3A_218 = arith.cmpi sge, %while3A_151, %add3A_217 : i32
          %not3A_219 = arith.constant true
          %not3A_220 = arith.xori %ge3A_218, %not3A_219 : i1
          %and3A_221 = arith.andi %or3A_213, %not3A_220 : i1
          %ne3A_222 = arith.cmpi ne, %add3A_164, %add3A_174 : i32
          %or3A_223 = arith.constant false
          %or3A_224 = arith.ori %or3A_223, %ne3A_222 : i1
          %or3A_225 = arith.constant false
          %or3A_226 = arith.ori %or3A_224, %or3A_225 : i1
          %or3A_227 = arith.constant false
          %or3A_228 = arith.ori %or3A_226, %or3A_227 : i1
          %or3A_229 = arith.ori %or3A_228, %eq3A_160 : i1
          %convert_element_type3A_230 = arith.extui %or3A_229 : i1 to i32
          %cond3A_231 = arith.constant 0 : i32
          %cond3A_232 = arith.cmpi ne, %convert_element_type3A_230, %cond3A_231 : i32
          scf.if %cond3A_232 {
            "tpu.trace_start"() <{level = 10 : i32, message = "ep_wait_in"}> : () -> ()
            %mul3A_324 = arith.constant 1 : i32
            %mul3A_325 = arith.muli %mul3A_324, %add3A_164 : i32
            %rem3A_326 = arith.constant 2 : i32
            %rem3A_327 = arith.remui %while3A_153, %rem3A_326 : i32
            %dma_wait3A = arith.constant 0 : i32
            %dma_wait3A_328 = arith.constant 0 : i32
            %dma_wait3A_329 = arith.constant 0 : i32
            %dma_wait3A_330 = tpu.memref_slice %run_scoped3A[%rem3A_327, %dma_wait3A, %dma_wait3A_328, %dma_wait3A_329] : memref<2x1x1x400xi32, #tpu.memory_space<vmem>> -> memref<1x1x1x400xi32, #tpu.memory_space<vmem>>
            %dma_wait3A_331 = tpu.memref_squeeze %dma_wait3A_330 : memref<1x1x1x400xi32, #tpu.memory_space<vmem>> -> memref<1x1x400xi32, #tpu.memory_space<vmem>>
            %dma_wait3A_332 = arith.constant 0 : i32
            %dma_wait3A_333 = arith.constant 0 : i32
            %dma_wait3A_334 = tpu.memref_slice %arg3[%mul3A_325, %dma_wait3A_332, %dma_wait3A_333] : memref<250x1x400xi32, #tpu.memory_space<hbm>> -> memref<1x1x400xi32, #tpu.memory_space<hbm>>
            %dma_wait3A_335 = tpu.memref_slice %run_scoped3A_19[%rem3A_327] : memref<2x!tpu.dma_semaphore, #tpu.memory_space<semaphore_mem>> -> memref<1x!tpu.dma_semaphore, #tpu.memory_space<semaphore_mem>>
            %dma_wait3A_336 = tpu.memref_squeeze %dma_wait3A_335 : memref<1x!tpu.dma_semaphore, #tpu.memory_space<semaphore_mem>> -> memref<!tpu.dma_semaphore, #tpu.memory_space<semaphore_mem>>
            %dma_wait3A_337 = arith.constant 0 : i32
            %dma_wait3A_338 = arith.constant 0 : i32
            %dma_wait3A_339 = arith.constant 0 : i32
            %dma_wait3A_340 = tpu.memref_slice %run_scoped3A[%rem3A_327, %dma_wait3A_337, %dma_wait3A_338, %dma_wait3A_339] : memref<2x1x1x400xi32, #tpu.memory_space<vmem>> -> memref<1x1x1x400xi32, #tpu.memory_space<vmem>>
            %dma_wait3A_341 = tpu.memref_squeeze %dma_wait3A_340 : memref<1x1x1x400xi32, #tpu.memory_space<vmem>> -> memref<1x1x400xi32, #tpu.memory_space<vmem>>
            %dma_wait3A_342 = arith.constant 0 : i32
            %dma_wait3A_343 = arith.constant 0 : i32
            %dma_wait3A_344 = tpu.memref_slice %arg3[%mul3A_325, %dma_wait3A_342, %dma_wait3A_343] : memref<250x1x400xi32, #tpu.memory_space<hbm>> -> memref<1x1x400xi32, #tpu.memory_space<hbm>>
            tpu.wait_dma2 semaphore(%dma_wait3A_336 : memref<!tpu.dma_semaphore, #tpu.memory_space<semaphore_mem>>) src(%dma_wait3A_344 : memref<1x1x400xi32, #tpu.memory_space<hbm>>) dst(%dma_wait3A_341 : memref<1x1x400xi32, #tpu.memory_space<vmem>>)
            "tpu.trace_stop"() : () -> ()
          } else {
          }
          %ne3A_233 = arith.cmpi ne, %add3A_164, %add3A_174 : i32
          %or3A_234 = arith.constant false
          %or3A_235 = arith.ori %or3A_234, %ne3A_233 : i1
          %or3A_236 = arith.constant false
          %or3A_237 = arith.ori %or3A_235, %or3A_236 : i1
          %or3A_238 = arith.ori %or3A_237, %eq3A_160 : i1
          %convert_element_type3A_239 = arith.extui %or3A_238 : i1 to i32
          %cond3A_240 = arith.constant 0 : i32
          %cond3A_241 = arith.cmpi ne, %convert_element_type3A_239, %cond3A_240 : i32
          scf.if %cond3A_241 {
          } else {
          }
          %rem3A_242 = arith.constant 2 : i32
          %rem3A_243 = arith.remui %while3A_153, %rem3A_242 : i32
          %rem3A_244 = arith.constant 2 : i32
          %rem3A_245 = arith.remui %while3A_154, %rem3A_244 : i32
          %run_scoped3A_246 = arith.constant 0 : i32
          %run_scoped3A_247 = arith.constant 0 : i32
          "tpu.trace_start"() <{level = 10 : i32, message = "ep_run_kernel"}> : () -> ()
          "tpu.region"() ({
            %run_scoped3A_324 = tpu.sem_alloc : memref<!tpu.dma_semaphore, #tpu.memory_space<semaphore_mem>>
            %dma_start3A_325 = arith.constant 0 : i32
            %dma_start3A_326 = arith.constant 0 : i32
            %dma_start3A_327 = tpu.memref_slice %run_scoped3A_20[%rem3A_245, %dma_start3A_325, %dma_start3A_326] : memref<2x400x128xf32, #tpu.memory_space<vmem>> -> memref<1x400x128xf32, #tpu.memory_space<vmem>>
            %dma_start3A_328 = tpu.memref_squeeze %dma_start3A_327 : memref<1x400x128xf32, #tpu.memory_space<vmem>> -> memref<400x128xf32, #tpu.memory_space<vmem>>
            %dma_start3A_329 = arith.constant 0 : i32
            %dma_start3A_330 = arith.constant 0 : i32
            %dma_start3A_331 = arith.constant 0 : i32
            %dma_start3A_332 = tpu.memref_slice %run_scoped3A[%rem3A_243, %dma_start3A_329, %dma_start3A_330, %dma_start3A_331] : memref<2x1x1x400xi32, #tpu.memory_space<vmem>> -> memref<1x1x1x400xi32, #tpu.memory_space<vmem>>
            %dma_start3A_333 = tpu.memref_squeeze %dma_start3A_332 : memref<1x1x1x400xi32, #tpu.memory_space<vmem>> -> memref<1x1x400xi32, #tpu.memory_space<vmem>>
            %dma_start3A_334 = arith.constant 0 : i32
            %dma_start3A_335 = tpu.memref_slice %dma_start3A_333[%run_scoped3A_246, %run_scoped3A_247, %dma_start3A_334] : memref<1x1x400xi32, #tpu.memory_space<vmem>> -> memref<1x1x400xi32, #tpu.memory_space<vmem>>
            %dma_start3A_336 = tpu.memref_squeeze %dma_start3A_335 : memref<1x1x400xi32, #tpu.memory_space<vmem>> -> memref<400xi32, #tpu.memory_space<vmem>>
            %dma_start3A_337 = arith.constant 0 : i32
            %dma_start3A_338 = arith.constant 0 : i32
            %dma_start3A_339 = tpu.memref_slice %arg5[%dma_start3A_337, %dma_start3A_338] : memref<3x128xf32, #tpu.memory_space<vmem_shared>> -> memref<3x128xf32, #tpu.memory_space<vmem_shared>>
            tpu.enqueue_indirect_dma source(%dma_start3A_339 : memref<3x128xf32, #tpu.memory_space<vmem_shared>>) target(%dma_start3A_328 : memref<400x128xf32, #tpu.memory_space<vmem>>) offsets(%dma_start3A_336 : memref<400xi32, #tpu.memory_space<vmem>>) semaphore(%run_scoped3A_324 : memref<!tpu.dma_semaphore, #tpu.memory_space<semaphore_mem>>)
            %dma_wait3A = arith.constant 0 : i32
            %dma_wait3A_340 = arith.constant 0 : i32
            %dma_wait3A_341 = tpu.memref_slice %run_scoped3A_20[%rem3A_245, %dma_wait3A, %dma_wait3A_340] : memref<2x400x128xf32, #tpu.memory_space<vmem>> -> memref<1x400x128xf32, #tpu.memory_space<vmem>>
            %dma_wait3A_342 = tpu.memref_squeeze %dma_wait3A_341 : memref<1x400x128xf32, #tpu.memory_space<vmem>> -> memref<400x128xf32, #tpu.memory_space<vmem>>
            %dma_wait3A_343 = arith.constant 0 : i32
            %dma_wait3A_344 = arith.constant 0 : i32
            %dma_wait3A_345 = arith.constant 0 : i32
            %dma_wait3A_346 = tpu.memref_slice %run_scoped3A[%rem3A_243, %dma_wait3A_343, %dma_wait3A_344, %dma_wait3A_345] : memref<2x1x1x400xi32, #tpu.memory_space<vmem>> -> memref<1x1x1x400xi32, #tpu.memory_space<vmem>>
            %dma_wait3A_347 = tpu.memref_squeeze %dma_wait3A_346 : memref<1x1x1x400xi32, #tpu.memory_space<vmem>> -> memref<1x1x400xi32, #tpu.memory_space<vmem>>
            %dma_wait3A_348 = arith.constant 0 : i32
            %dma_wait3A_349 = tpu.memref_slice %dma_wait3A_347[%run_scoped3A_246, %run_scoped3A_247, %dma_wait3A_348] : memref<1x1x400xi32, #tpu.memory_space<vmem>> -> memref<1x1x400xi32, #tpu.memory_space<vmem>>
            %dma_wait3A_350 = tpu.memref_squeeze %dma_wait3A_349 : memref<1x1x400xi32, #tpu.memory_space<vmem>> -> memref<400xi32, #tpu.memory_space<vmem>>
            %dma_wait3A_351 = arith.constant 0 : i32
            %dma_wait3A_352 = arith.constant 0 : i32
            %dma_wait3A_353 = tpu.memref_slice %arg5[%dma_wait3A_351, %dma_wait3A_352] : memref<3x128xf32, #tpu.memory_space<vmem_shared>> -> memref<3x128xf32, #tpu.memory_space<vmem_shared>>
            tpu.wait_indirect_dma semaphore(%run_scoped3A_324 : memref<!tpu.dma_semaphore, #tpu.memory_space<semaphore_mem>>) src(%dma_wait3A_353 : memref<3x128xf32, #tpu.memory_space<vmem_shared>>) dst(%dma_wait3A_342 : memref<400x128xf32, #tpu.memory_space<vmem>>)
            tpu.yield
          }) : () -> ()
          "tpu.trace_stop"() : () -> ()
          %ne3A_248 = arith.cmpi ne, %add3A_164, %add3A_182 : i32
          %or3A_249 = arith.constant false
          %or3A_250 = arith.ori %or3A_249, %ne3A_248 : i1
          %or3A_251 = arith.constant false
          %or3A_252 = arith.ori %or3A_250, %or3A_251 : i1
          %or3A_253 = arith.constant false
          %or3A_254 = arith.ori %or3A_252, %or3A_253 : i1
          %or3A_255 = arith.ori %or3A_254, %eq3A_163 : i1
          %convert_element_type3A_256 = arith.extui %or3A_255 : i1 to i32
          %cond3A_257 = arith.constant 0 : i32
          %cond3A_258 = arith.cmpi ne, %convert_element_type3A_256, %cond3A_257 : i32
          scf.if %cond3A_258 {
          } else {
          }
          %and3A_259 = arith.constant false
          %and3A_260 = arith.andi %or3A_255, %and3A_259 : i1
          %ne3A_261 = arith.cmpi ne, %add3A_164, %add3A_182 : i32
          %or3A_262 = arith.constant false
          %or3A_263 = arith.ori %or3A_262, %ne3A_261 : i1
          %or3A_264 = arith.constant false
          %or3A_265 = arith.ori %or3A_263, %or3A_264 : i1
          %or3A_266 = arith.ori %or3A_265, %eq3A_163 : i1
          %convert_element_type3A_267 = arith.extui %or3A_266 : i1 to i32
          %cond3A_268 = arith.constant 0 : i32
          %cond3A_269 = arith.cmpi ne, %convert_element_type3A_267, %cond3A_268 : i32
          scf.if %cond3A_269 {
            "tpu.trace_start"() <{level = 10 : i32, message = "ep_copy_out"}> : () -> ()
            %rem3A_324 = arith.constant 2 : i32
            %rem3A_325 = arith.remui %while3A_154, %rem3A_324 : i32
            %mul3A_326 = arith.constant 400 : i32
            %mul3A_327 = arith.muli %mul3A_326, %add3A_164 : i32
            %dma_start3A_328 = arith.constant 0 : i32
            %dma_start3A_329 = arith.constant 0 : i32
            %dma_start3A_330 = tpu.memref_slice %run_scoped3A_20[%rem3A_325, %dma_start3A_328, %dma_start3A_329] : memref<2x400x128xf32, #tpu.memory_space<vmem>> -> memref<1x400x128xf32, #tpu.memory_space<vmem>>
            %dma_start3A_331 = tpu.memref_squeeze %dma_start3A_330 : memref<1x400x128xf32, #tpu.memory_space<vmem>> -> memref<400x128xf32, #tpu.memory_space<vmem>>
            %dma_start3A_332 = arith.constant 0 : i32
            %dma_start3A_333 = tpu.memref_slice %arg4[%mul3A_327, %dma_start3A_332] : memref<100000x128xf32, #tpu.memory_space<hbm>> -> memref<400x128xf32, #tpu.memory_space<hbm>>
            %dma_start3A_334 = tpu.memref_slice %run_scoped3A_21[%rem3A_325] : memref<2x!tpu.dma_semaphore, #tpu.memory_space<semaphore_mem>> -> memref<1x!tpu.dma_semaphore, #tpu.memory_space<semaphore_mem>>
            %dma_start3A_335 = tpu.memref_squeeze %dma_start3A_334 : memref<1x!tpu.dma_semaphore, #tpu.memory_space<semaphore_mem>> -> memref<!tpu.dma_semaphore, #tpu.memory_space<semaphore_mem>>
            %dma_start3A_336 = arith.constant 0 : i32
            %dma_start3A_337 = tpu.memref_slice %arg4[%mul3A_327, %dma_start3A_336] : memref<100000x128xf32, #tpu.memory_space<hbm>> -> memref<400x128xf32, #tpu.memory_space<hbm>>
            %dma_start3A_338 = arith.constant 0 : i32
            %dma_start3A_339 = arith.constant 0 : i32
            %dma_start3A_340 = tpu.memref_slice %run_scoped3A_20[%rem3A_325, %dma_start3A_338, %dma_start3A_339] : memref<2x400x128xf32, #tpu.memory_space<vmem>> -> memref<1x400x128xf32, #tpu.memory_space<vmem>>
            %dma_start3A_341 = tpu.memref_squeeze %dma_start3A_340 : memref<1x400x128xf32, #tpu.memory_space<vmem>> -> memref<400x128xf32, #tpu.memory_space<vmem>>
            tpu.enqueue_dma source(%dma_start3A_341 : memref<400x128xf32, #tpu.memory_space<vmem>>) target(%dma_start3A_337 : memref<400x128xf32, #tpu.memory_space<hbm>>) target_semaphore(%dma_start3A_335 : memref<!tpu.dma_semaphore, #tpu.memory_space<semaphore_mem>>)
            "tpu.trace_stop"() : () -> ()
          } else {
          }
          %and3A_270 = arith.constant true
          %and3A_271 = arith.andi %or3A_266, %and3A_270 : i1
          %add3A_272 = arith.constant 1 : i32
          %add3A_273 = arith.addi %while3A_154, %add3A_272 : i32
          %select_n3A_274 = arith.select %and3A_271, %add3A_273, %while3A_154 : i32
          %ne3A_275 = arith.cmpi ne, %add3A_164, %add3A_174 : i32
          %or3A_276 = arith.constant false
          %or3A_277 = arith.ori %or3A_276, %ne3A_275 : i1
          %or3A_278 = arith.constant false
          %or3A_279 = arith.ori %or3A_277, %or3A_278 : i1
          %or3A_280 = arith.constant false
          %or3A_281 = arith.ori %or3A_279, %or3A_280 : i1
          %not3A_282 = arith.constant true
          %not3A_283 = arith.xori %eq3A_160, %not3A_282 : i1
          %and3A_284 = arith.andi %or3A_281, %not3A_283 : i1
          %convert_element_type3A_285 = arith.extui %and3A_284 : i1 to i32
          %cond3A_286 = arith.constant 0 : i32
          %cond3A_287 = arith.cmpi ne, %convert_element_type3A_285, %cond3A_286 : i32
          scf.if %cond3A_287 {
          } else {
          }
          %and3A_288 = arith.constant false
          %and3A_289 = arith.andi %and3A_284, %and3A_288 : i1
          %ne3A_290 = arith.cmpi ne, %add3A_164, %add3A_174 : i32
          %or3A_291 = arith.constant false
          %or3A_292 = arith.ori %or3A_291, %ne3A_290 : i1
          %or3A_293 = arith.constant false
          %or3A_294 = arith.ori %or3A_292, %or3A_293 : i1
          %not3A_295 = arith.constant true
          %not3A_296 = arith.xori %eq3A_160, %not3A_295 : i1
          %and3A_297 = arith.andi %or3A_294, %not3A_296 : i1
          %convert_element_type3A_298 = arith.extui %and3A_297 : i1 to i32
          %cond3A_299 = arith.constant 0 : i32
          %cond3A_300 = arith.cmpi ne, %convert_element_type3A_298, %cond3A_299 : i32
          scf.if %cond3A_300 {
            "tpu.trace_start"() <{level = 10 : i32, message = "ep_wait_out"}> : () -> ()
            %rem3A_324 = arith.constant 2 : i32
            %rem3A_325 = arith.remui %while3A_155, %rem3A_324 : i32
            %mul3A_326 = arith.constant 400 : i32
            %mul3A_327 = arith.muli %mul3A_326, %add3A_174 : i32
            %dma_wait3A = arith.constant 0 : i32
            %dma_wait3A_328 = arith.constant 0 : i32
            %dma_wait3A_329 = tpu.memref_slice %run_scoped3A_20[%rem3A_325, %dma_wait3A, %dma_wait3A_328] : memref<2x400x128xf32, #tpu.memory_space<vmem>> -> memref<1x400x128xf32, #tpu.memory_space<vmem>>
            %dma_wait3A_330 = tpu.memref_squeeze %dma_wait3A_329 : memref<1x400x128xf32, #tpu.memory_space<vmem>> -> memref<400x128xf32, #tpu.memory_space<vmem>>
            %dma_wait3A_331 = arith.constant 0 : i32
            %dma_wait3A_332 = tpu.memref_slice %arg4[%mul3A_327, %dma_wait3A_331] : memref<100000x128xf32, #tpu.memory_space<hbm>> -> memref<400x128xf32, #tpu.memory_space<hbm>>
            %dma_wait3A_333 = tpu.memref_slice %run_scoped3A_21[%rem3A_325] : memref<2x!tpu.dma_semaphore, #tpu.memory_space<semaphore_mem>> -> memref<1x!tpu.dma_semaphore, #tpu.memory_space<semaphore_mem>>
            %dma_wait3A_334 = tpu.memref_squeeze %dma_wait3A_333 : memref<1x!tpu.dma_semaphore, #tpu.memory_space<semaphore_mem>> -> memref<!tpu.dma_semaphore, #tpu.memory_space<semaphore_mem>>
            %dma_wait3A_335 = arith.constant 0 : i32
            %dma_wait3A_336 = tpu.memref_slice %arg4[%mul3A_327, %dma_wait3A_335] : memref<100000x128xf32, #tpu.memory_space<hbm>> -> memref<400x128xf32, #tpu.memory_space<hbm>>
            %dma_wait3A_337 = arith.constant 0 : i32
            %dma_wait3A_338 = arith.constant 0 : i32
            %dma_wait3A_339 = tpu.memref_slice %run_scoped3A_20[%rem3A_325, %dma_wait3A_337, %dma_wait3A_338] : memref<2x400x128xf32, #tpu.memory_space<vmem>> -> memref<1x400x128xf32, #tpu.memory_space<vmem>>
            %dma_wait3A_340 = tpu.memref_squeeze %dma_wait3A_339 : memref<1x400x128xf32, #tpu.memory_space<vmem>> -> memref<400x128xf32, #tpu.memory_space<vmem>>
            tpu.wait_dma2 semaphore(%dma_wait3A_334 : memref<!tpu.dma_semaphore, #tpu.memory_space<semaphore_mem>>) src(%dma_wait3A_340 : memref<400x128xf32, #tpu.memory_space<vmem>>) dst(%dma_wait3A_336 : memref<400x128xf32, #tpu.memory_space<hbm>>)
            "tpu.trace_stop"() : () -> ()
          } else {
          }
          %and3A_301 = arith.constant true
          %and3A_302 = arith.andi %and3A_297, %and3A_301 : i1
          %add3A_303 = arith.constant 1 : i32
          %add3A_304 = arith.addi %while3A_155, %add3A_303 : i32
          %select_n3A_305 = arith.select %and3A_302, %add3A_304, %while3A_155 : i32
          %ne3A_306 = arith.cmpi ne, %add3A_164, %add3A_182 : i32
          %or3A_307 = arith.constant false
          %or3A_308 = arith.ori %or3A_307, %ne3A_306 : i1
          %or3A_309 = arith.constant false
          %or3A_310 = arith.ori %or3A_308, %or3A_309 : i1
          %or3A_311 = arith.constant false
          %or3A_312 = arith.ori %or3A_310, %or3A_311 : i1
          %or3A_313 = arith.ori %or3A_312, %eq3A_163 : i1
          %add3A_314 = arith.constant 1 : i32
          %add3A_315 = arith.addi %while3A_153, %add3A_314 : i32
          %select_n3A_316 = arith.select %or3A_313, %add3A_315, %while3A_153 : i32
          %add3A_317 = arith.constant 1 : i32
          %add3A_318 = arith.addi %while3A_156, %add3A_317 : i32
          %select_n3A_319 = arith.constant true
          %select_n3A_320 = arith.select %select_n3A_319, %add3A_318, %while3A_156 : i32
          %eq3A_321 = arith.cmpi eq, %select_n3A_320, %select_n3A : i32
          %select_n3A_322 = arith.constant 0 : i32
          %select_n3A_323 = arith.select %eq3A_321, %select_n3A_322, %select_n3A_320 : i32
          scf.yield %select_n3A_208, %select_n3A_316, %select_n3A_274, %select_n3A_305, %select_n3A_323 : i32, i32, i32, i32, i32
        }
        %while3A_98 = arith.constant 1 : i32
        %while3A_99:5 = scf.for %while3A_151 = %while3A_95 to %while3A_91 step %while3A_98 iter_args(%while3A_152 = %while3A_97#0, %while3A_153 = %while3A_97#1, %while3A_154 = %while3A_97#2, %while3A_155 = %while3A_97#3, %while3A_156 = %while3A_97#4) -> (i32, i32, i32, i32, i32)  : i32 {
          %mul3A_157 = arith.constant 1 : i32
          %mul3A_158 = arith.muli %mul3A_157, %select_n3A : i32
          %eq3A_159 = arith.constant 0 : i32
          %eq3A_160 = arith.cmpi eq, %while3A_151, %eq3A_159 : i32
          %sub3A_161 = arith.constant 1 : i32
          %sub3A_162 = arith.subi %mul3A_158, %sub3A_161 : i32
          %eq3A_163 = arith.cmpi eq, %while3A_151, %sub3A_162 : i32
          %add3A_164 = arith.addi %while3A_156, %select_n3A_16 : i32
          %sub3A_165 = arith.constant 1 : i32
          %sub3A_166 = arith.subi %while3A_156, %sub3A_165 : i32
          %select_n3A_167 = arith.constant true
          %select_n3A_168 = arith.select %select_n3A_167, %sub3A_166, %while3A_156 : i32
          %eq3A_169 = arith.constant -1 : i32
          %eq3A_170 = arith.cmpi eq, %select_n3A_168, %eq3A_169 : i32
          %sub3A_171 = arith.constant 1 : i32
          %sub3A_172 = arith.subi %select_n3A, %sub3A_171 : i32
          %select_n3A_173 = arith.select %eq3A_170, %sub3A_172, %select_n3A_168 : i32
          %add3A_174 = arith.addi %select_n3A_173, %select_n3A_16 : i32
          %add3A_175 = arith.constant 1 : i32
          %add3A_176 = arith.addi %while3A_156, %add3A_175 : i32
          %select_n3A_177 = arith.constant true
          %select_n3A_178 = arith.select %select_n3A_177, %add3A_176, %while3A_156 : i32
          %eq3A_179 = arith.cmpi eq, %select_n3A_178, %select_n3A : i32
          %select_n3A_180 = arith.constant 0 : i32
          %select_n3A_181 = arith.select %eq3A_179, %select_n3A_180, %select_n3A_178 : i32
          %add3A_182 = arith.addi %select_n3A_181, %select_n3A_16 : i32
          %add3A_183 = arith.constant 1 : i32
          %add3A_184 = arith.addi %select_n3A_181, %add3A_183 : i32
          %select_n3A_185 = arith.constant true
          %select_n3A_186 = arith.select %select_n3A_185, %add3A_184, %select_n3A_181 : i32
          %eq3A_187 = arith.cmpi eq, %select_n3A_186, %select_n3A : i32
          %select_n3A_188 = arith.constant 0 : i32
          %select_n3A_189 = arith.select %eq3A_187, %select_n3A_188, %select_n3A_186 : i32
          %add3A_190 = arith.addi %select_n3A_189, %select_n3A_16 : i32
          %ne3A = arith.cmpi ne, %add3A_164, %add3A_182 : i32
          %or3A = arith.constant false
          %or3A_191 = arith.ori %or3A, %ne3A : i1
          %or3A_192 = arith.constant false
          %or3A_193 = arith.ori %or3A_191, %or3A_192 : i1
          %or3A_194 = arith.constant false
          %or3A_195 = arith.ori %or3A_193, %or3A_194 : i1
          %sub3A_196 = arith.constant 2 : i32
          %sub3A_197 = arith.subi %mul3A_158, %sub3A_196 : i32
          %add3A_198 = arith.constant 1 : i32
          %add3A_199 = arith.addi %sub3A_197, %add3A_198 : i32
          %ge3A = arith.cmpi sge, %while3A_151, %add3A_199 : i32
          %not3A = arith.constant true
          %not3A_200 = arith.xori %ge3A, %not3A : i1
          %and3A = arith.andi %or3A_195, %not3A_200 : i1
          %convert_element_type3A_201 = arith.extui %and3A : i1 to i32
          %cond3A_202 = arith.constant 0 : i32
          %cond3A_203 = arith.cmpi ne, %convert_element_type3A_201, %cond3A_202 : i32
          scf.if %cond3A_203 {
            "tpu.trace_start"() <{level = 10 : i32, message = "ep_copy_in"}> : () -> ()
            %rem3A_324 = arith.constant 2 : i32
            %rem3A_325 = arith.remui %while3A_152, %rem3A_324 : i32
            %mul3A_326 = arith.constant 1 : i32
            %mul3A_327 = arith.muli %mul3A_326, %add3A_182 : i32
            %dma_start3A_328 = arith.constant 0 : i32
            %dma_start3A_329 = arith.constant 0 : i32
            %dma_start3A_330 = arith.constant 0 : i32
            %dma_start3A_331 = tpu.memref_slice %run_scoped3A[%rem3A_325, %dma_start3A_328, %dma_start3A_329, %dma_start3A_330] : memref<2x1x1x400xi32, #tpu.memory_space<vmem>> -> memref<1x1x1x400xi32, #tpu.memory_space<vmem>>
            %dma_start3A_332 = tpu.memref_squeeze %dma_start3A_331 : memref<1x1x1x400xi32, #tpu.memory_space<vmem>> -> memref<1x1x400xi32, #tpu.memory_space<vmem>>
            %dma_start3A_333 = arith.constant 0 : i32
            %dma_start3A_334 = arith.constant 0 : i32
            %dma_start3A_335 = tpu.memref_slice %arg3[%mul3A_327, %dma_start3A_333, %dma_start3A_334] : memref<250x1x400xi32, #tpu.memory_space<hbm>> -> memref<1x1x400xi32, #tpu.memory_space<hbm>>
            %dma_start3A_336 = tpu.memref_slice %run_scoped3A_19[%rem3A_325] : memref<2x!tpu.dma_semaphore, #tpu.memory_space<semaphore_mem>> -> memref<1x!tpu.dma_semaphore, #tpu.memory_space<semaphore_mem>>
            %dma_start3A_337 = tpu.memref_squeeze %dma_start3A_336 : memref<1x!tpu.dma_semaphore, #tpu.memory_space<semaphore_mem>> -> memref<!tpu.dma_semaphore, #tpu.memory_space<semaphore_mem>>
            %dma_start3A_338 = arith.constant 0 : i32
            %dma_start3A_339 = arith.constant 0 : i32
            %dma_start3A_340 = arith.constant 0 : i32
            %dma_start3A_341 = tpu.memref_slice %run_scoped3A[%rem3A_325, %dma_start3A_338, %dma_start3A_339, %dma_start3A_340] : memref<2x1x1x400xi32, #tpu.memory_space<vmem>> -> memref<1x1x1x400xi32, #tpu.memory_space<vmem>>
            %dma_start3A_342 = tpu.memref_squeeze %dma_start3A_341 : memref<1x1x1x400xi32, #tpu.memory_space<vmem>> -> memref<1x1x400xi32, #tpu.memory_space<vmem>>
            %dma_start3A_343 = arith.constant 0 : i32
            %dma_start3A_344 = arith.constant 0 : i32
            %dma_start3A_345 = tpu.memref_slice %arg3[%mul3A_327, %dma_start3A_343, %dma_start3A_344] : memref<250x1x400xi32, #tpu.memory_space<hbm>> -> memref<1x1x400xi32, #tpu.memory_space<hbm>>
            tpu.enqueue_dma source(%dma_start3A_345 : memref<1x1x400xi32, #tpu.memory_space<hbm>>) target(%dma_start3A_342 : memref<1x1x400xi32, #tpu.memory_space<vmem>>) target_semaphore(%dma_start3A_337 : memref<!tpu.dma_semaphore, #tpu.memory_space<semaphore_mem>>)
            "tpu.trace_stop"() : () -> ()
          } else {
          }
          %and3A_204 = arith.constant true
          %and3A_205 = arith.andi %and3A, %and3A_204 : i1
          %add3A_206 = arith.constant 1 : i32
          %add3A_207 = arith.addi %while3A_152, %add3A_206 : i32
          %select_n3A_208 = arith.select %and3A_205, %add3A_207, %while3A_152 : i32
          %ne3A_209 = arith.cmpi ne, %add3A_164, %add3A_182 : i32
          %or3A_210 = arith.constant false
          %or3A_211 = arith.ori %or3A_210, %ne3A_209 : i1
          %or3A_212 = arith.constant false
          %or3A_213 = arith.ori %or3A_211, %or3A_212 : i1
          %sub3A_214 = arith.constant 2 : i32
          %sub3A_215 = arith.subi %mul3A_158, %sub3A_214 : i32
          %add3A_216 = arith.constant 1 : i32
          %add3A_217 = arith.addi %sub3A_215, %add3A_216 : i32
          %ge3A_218 = arith.cmpi sge, %while3A_151, %add3A_217 : i32
          %not3A_219 = arith.constant true
          %not3A_220 = arith.xori %ge3A_218, %not3A_219 : i1
          %and3A_221 = arith.andi %or3A_213, %not3A_220 : i1
          %ne3A_222 = arith.cmpi ne, %add3A_164, %add3A_174 : i32
          %or3A_223 = arith.constant false
          %or3A_224 = arith.ori %or3A_223, %ne3A_222 : i1
          %or3A_225 = arith.constant false
          %or3A_226 = arith.ori %or3A_224, %or3A_225 : i1
          %or3A_227 = arith.constant false
          %or3A_228 = arith.ori %or3A_226, %or3A_227 : i1
          %or3A_229 = arith.ori %or3A_228, %eq3A_160 : i1
          %convert_element_type3A_230 = arith.extui %or3A_229 : i1 to i32
          %cond3A_231 = arith.constant 0 : i32
          %cond3A_232 = arith.cmpi ne, %convert_element_type3A_230, %cond3A_231 : i32
          scf.if %cond3A_232 {
            "tpu.trace_start"() <{level = 10 : i32, message = "ep_wait_in"}> : () -> ()
            %mul3A_324 = arith.constant 1 : i32
            %mul3A_325 = arith.muli %mul3A_324, %add3A_164 : i32
            %rem3A_326 = arith.constant 2 : i32
            %rem3A_327 = arith.remui %while3A_153, %rem3A_326 : i32
            %dma_wait3A = arith.constant 0 : i32
            %dma_wait3A_328 = arith.constant 0 : i32
            %dma_wait3A_329 = arith.constant 0 : i32
            %dma_wait3A_330 = tpu.memref_slice %run_scoped3A[%rem3A_327, %dma_wait3A, %dma_wait3A_328, %dma_wait3A_329] : memref<2x1x1x400xi32, #tpu.memory_space<vmem>> -> memref<1x1x1x400xi32, #tpu.memory_space<vmem>>
            %dma_wait3A_331 = tpu.memref_squeeze %dma_wait3A_330 : memref<1x1x1x400xi32, #tpu.memory_space<vmem>> -> memref<1x1x400xi32, #tpu.memory_space<vmem>>
            %dma_wait3A_332 = arith.constant 0 : i32
            %dma_wait3A_333 = arith.constant 0 : i32
            %dma_wait3A_334 = tpu.memref_slice %arg3[%mul3A_325, %dma_wait3A_332, %dma_wait3A_333] : memref<250x1x400xi32, #tpu.memory_space<hbm>> -> memref<1x1x400xi32, #tpu.memory_space<hbm>>
            %dma_wait3A_335 = tpu.memref_slice %run_scoped3A_19[%rem3A_327] : memref<2x!tpu.dma_semaphore, #tpu.memory_space<semaphore_mem>> -> memref<1x!tpu.dma_semaphore, #tpu.memory_space<semaphore_mem>>
            %dma_wait3A_336 = tpu.memref_squeeze %dma_wait3A_335 : memref<1x!tpu.dma_semaphore, #tpu.memory_space<semaphore_mem>> -> memref<!tpu.dma_semaphore, #tpu.memory_space<semaphore_mem>>
            %dma_wait3A_337 = arith.constant 0 : i32
            %dma_wait3A_338 = arith.constant 0 : i32
            %dma_wait3A_339 = arith.constant 0 : i32
            %dma_wait3A_340 = tpu.memref_slice %run_scoped3A[%rem3A_327, %dma_wait3A_337, %dma_wait3A_338, %dma_wait3A_339] : memref<2x1x1x400xi32, #tpu.memory_space<vmem>> -> memref<1x1x1x400xi32, #tpu.memory_space<vmem>>
            %dma_wait3A_341 = tpu.memref_squeeze %dma_wait3A_340 : memref<1x1x1x400xi32, #tpu.memory_space<vmem>> -> memref<1x1x400xi32, #tpu.memory_space<vmem>>
            %dma_wait3A_342 = arith.constant 0 : i32
            %dma_wait3A_343 = arith.constant 0 : i32
            %dma_wait3A_344 = tpu.memref_slice %arg3[%mul3A_325, %dma_wait3A_342, %dma_wait3A_343] : memref<250x1x400xi32, #tpu.memory_space<hbm>> -> memref<1x1x400xi32, #tpu.memory_space<hbm>>
            tpu.wait_dma2 semaphore(%dma_wait3A_336 : memref<!tpu.dma_semaphore, #tpu.memory_space<semaphore_mem>>) src(%dma_wait3A_344 : memref<1x1x400xi32, #tpu.memory_space<hbm>>) dst(%dma_wait3A_341 : memref<1x1x400xi32, #tpu.memory_space<vmem>>)
            "tpu.trace_stop"() : () -> ()
          } else {
          }
          %ne3A_233 = arith.cmpi ne, %add3A_164, %add3A_174 : i32
          %or3A_234 = arith.constant false
          %or3A_235 = arith.ori %or3A_234, %ne3A_233 : i1
          %or3A_236 = arith.constant false
          %or3A_237 = arith.ori %or3A_235, %or3A_236 : i1
          %or3A_238 = arith.ori %or3A_237, %eq3A_160 : i1
          %convert_element_type3A_239 = arith.extui %or3A_238 : i1 to i32
          %cond3A_240 = arith.constant 0 : i32
          %cond3A_241 = arith.cmpi ne, %convert_element_type3A_239, %cond3A_240 : i32
          scf.if %cond3A_241 {
          } else {
          }
          %rem3A_242 = arith.constant 2 : i32
          %rem3A_243 = arith.remui %while3A_153, %rem3A_242 : i32
          %rem3A_244 = arith.constant 2 : i32
          %rem3A_245 = arith.remui %while3A_154, %rem3A_244 : i32
          %run_scoped3A_246 = arith.constant 0 : i32
          %run_scoped3A_247 = arith.constant 0 : i32
          "tpu.trace_start"() <{level = 10 : i32, message = "ep_run_kernel"}> : () -> ()
          "tpu.region"() ({
            %run_scoped3A_324 = tpu.sem_alloc : memref<!tpu.dma_semaphore, #tpu.memory_space<semaphore_mem>>
            %dma_start3A_325 = arith.constant 0 : i32
            %dma_start3A_326 = arith.constant 0 : i32
            %dma_start3A_327 = tpu.memref_slice %run_scoped3A_20[%rem3A_245, %dma_start3A_325, %dma_start3A_326] : memref<2x400x128xf32, #tpu.memory_space<vmem>> -> memref<1x400x128xf32, #tpu.memory_space<vmem>>
            %dma_start3A_328 = tpu.memref_squeeze %dma_start3A_327 : memref<1x400x128xf32, #tpu.memory_space<vmem>> -> memref<400x128xf32, #tpu.memory_space<vmem>>
            %dma_start3A_329 = arith.constant 0 : i32
            %dma_start3A_330 = arith.constant 0 : i32
            %dma_start3A_331 = arith.constant 0 : i32
            %dma_start3A_332 = tpu.memref_slice %run_scoped3A[%rem3A_243, %dma_start3A_329, %dma_start3A_330, %dma_start3A_331] : memref<2x1x1x400xi32, #tpu.memory_space<vmem>> -> memref<1x1x1x400xi32, #tpu.memory_space<vmem>>
            %dma_start3A_333 = tpu.memref_squeeze %dma_start3A_332 : memref<1x1x1x400xi32, #tpu.memory_space<vmem>> -> memref<1x1x400xi32, #tpu.memory_space<vmem>>
            %dma_start3A_334 = arith.constant 0 : i32
            %dma_start3A_335 = tpu.memref_slice %dma_start3A_333[%run_scoped3A_246, %run_scoped3A_247, %dma_start3A_334] : memref<1x1x400xi32, #tpu.memory_space<vmem>> -> memref<1x1x400xi32, #tpu.memory_space<vmem>>
            %dma_start3A_336 = tpu.memref_squeeze %dma_start3A_335 : memref<1x1x400xi32, #tpu.memory_space<vmem>> -> memref<400xi32, #tpu.memory_space<vmem>>
            %dma_start3A_337 = arith.constant 0 : i32
            %dma_start3A_338 = arith.constant 0 : i32
            %dma_start3A_339 = tpu.memref_slice %arg5[%dma_start3A_337, %dma_start3A_338] : memref<3x128xf32, #tpu.memory_space<vmem_shared>> -> memref<3x128xf32, #tpu.memory_space<vmem_shared>>
            tpu.enqueue_indirect_dma source(%dma_start3A_339 : memref<3x128xf32, #tpu.memory_space<vmem_shared>>) target(%dma_start3A_328 : memref<400x128xf32, #tpu.memory_space<vmem>>) offsets(%dma_start3A_336 : memref<400xi32, #tpu.memory_space<vmem>>) semaphore(%run_scoped3A_324 : memref<!tpu.dma_semaphore, #tpu.memory_space<semaphore_mem>>)
            %dma_wait3A = arith.constant 0 : i32
            %dma_wait3A_340 = arith.constant 0 : i32
            %dma_wait3A_341 = tpu.memref_slice %run_scoped3A_20[%rem3A_245, %dma_wait3A, %dma_wait3A_340] : memref<2x400x128xf32, #tpu.memory_space<vmem>> -> memref<1x400x128xf32, #tpu.memory_space<vmem>>
            %dma_wait3A_342 = tpu.memref_squeeze %dma_wait3A_341 : memref<1x400x128xf32, #tpu.memory_space<vmem>> -> memref<400x128xf32, #tpu.memory_space<vmem>>
            %dma_wait3A_343 = arith.constant 0 : i32
            %dma_wait3A_344 = arith.constant 0 : i32
            %dma_wait3A_345 = arith.constant 0 : i32
            %dma_wait3A_346 = tpu.memref_slice %run_scoped3A[%rem3A_243, %dma_wait3A_343, %dma_wait3A_344, %dma_wait3A_345] : memref<2x1x1x400xi32, #tpu.memory_space<vmem>> -> memref<1x1x1x400xi32, #tpu.memory_space<vmem>>
            %dma_wait3A_347 = tpu.memref_squeeze %dma_wait3A_346 : memref<1x1x1x400xi32, #tpu.memory_space<vmem>> -> memref<1x1x400xi32, #tpu.memory_space<vmem>>
            %dma_wait3A_348 = arith.constant 0 : i32
            %dma_wait3A_349 = tpu.memref_slice %dma_wait3A_347[%run_scoped3A_246, %run_scoped3A_247, %dma_wait3A_348] : memref<1x1x400xi32, #tpu.memory_space<vmem>> -> memref<1x1x400xi32, #tpu.memory_space<vmem>>
            %dma_wait3A_350 = tpu.memref_squeeze %dma_wait3A_349 : memref<1x1x400xi32, #tpu.memory_space<vmem>> -> memref<400xi32, #tpu.memory_space<vmem>>
            %dma_wait3A_351 = arith.constant 0 : i32
            %dma_wait3A_352 = arith.constant 0 : i32
            %dma_wait3A_353 = tpu.memref_slice %arg5[%dma_wait3A_351, %dma_wait3A_352] : memref<3x128xf32, #tpu.memory_space<vmem_shared>> -> memref<3x128xf32, #tpu.memory_space<vmem_shared>>
            tpu.wait_indirect_dma semaphore(%run_scoped3A_324 : memref<!tpu.dma_semaphore, #tpu.memory_space<semaphore_mem>>) src(%dma_wait3A_353 : memref<3x128xf32, #tpu.memory_space<vmem_shared>>) dst(%dma_wait3A_342 : memref<400x128xf32, #tpu.memory_space<vmem>>)
            tpu.yield
          }) : () -> ()
          "tpu.trace_stop"() : () -> ()
          %ne3A_248 = arith.cmpi ne, %add3A_164, %add3A_182 : i32
          %or3A_249 = arith.constant false
          %or3A_250 = arith.ori %or3A_249, %ne3A_248 : i1
          %or3A_251 = arith.constant false
          %or3A_252 = arith.ori %or3A_250, %or3A_251 : i1
          %or3A_253 = arith.constant false
          %or3A_254 = arith.ori %or3A_252, %or3A_253 : i1
          %or3A_255 = arith.ori %or3A_254, %eq3A_163 : i1
          %convert_element_type3A_256 = arith.extui %or3A_255 : i1 to i32
          %cond3A_257 = arith.constant 0 : i32
          %cond3A_258 = arith.cmpi ne, %convert_element_type3A_256, %cond3A_257 : i32
          scf.if %cond3A_258 {
          } else {
          }
          %and3A_259 = arith.constant false
          %and3A_260 = arith.andi %or3A_255, %and3A_259 : i1
          %ne3A_261 = arith.cmpi ne, %add3A_164, %add3A_182 : i32
          %or3A_262 = arith.constant false
          %or3A_263 = arith.ori %or3A_262, %ne3A_261 : i1
          %or3A_264 = arith.constant false
          %or3A_265 = arith.ori %or3A_263, %or3A_264 : i1
          %or3A_266 = arith.ori %or3A_265, %eq3A_163 : i1
          %convert_element_type3A_267 = arith.extui %or3A_266 : i1 to i32
          %cond3A_268 = arith.constant 0 : i32
          %cond3A_269 = arith.cmpi ne, %convert_element_type3A_267, %cond3A_268 : i32
          scf.if %cond3A_269 {
            "tpu.trace_start"() <{level = 10 : i32, message = "ep_copy_out"}> : () -> ()
            %rem3A_324 = arith.constant 2 : i32
            %rem3A_325 = arith.remui %while3A_154, %rem3A_324 : i32
            %mul3A_326 = arith.constant 400 : i32
            %mul3A_327 = arith.muli %mul3A_326, %add3A_164 : i32
            %dma_start3A_328 = arith.constant 0 : i32
            %dma_start3A_329 = arith.constant 0 : i32
            %dma_start3A_330 = tpu.memref_slice %run_scoped3A_20[%rem3A_325, %dma_start3A_328, %dma_start3A_329] : memref<2x400x128xf32, #tpu.memory_space<vmem>> -> memref<1x400x128xf32, #tpu.memory_space<vmem>>
            %dma_start3A_331 = tpu.memref_squeeze %dma_start3A_330 : memref<1x400x128xf32, #tpu.memory_space<vmem>> -> memref<400x128xf32, #tpu.memory_space<vmem>>
            %dma_start3A_332 = arith.constant 0 : i32
            %dma_start3A_333 = tpu.memref_slice %arg4[%mul3A_327, %dma_start3A_332] : memref<100000x128xf32, #tpu.memory_space<hbm>> -> memref<400x128xf32, #tpu.memory_space<hbm>>
            %dma_start3A_334 = tpu.memref_slice %run_scoped3A_21[%rem3A_325] : memref<2x!tpu.dma_semaphore, #tpu.memory_space<semaphore_mem>> -> memref<1x!tpu.dma_semaphore, #tpu.memory_space<semaphore_mem>>
            %dma_start3A_335 = tpu.memref_squeeze %dma_start3A_334 : memref<1x!tpu.dma_semaphore, #tpu.memory_space<semaphore_mem>> -> memref<!tpu.dma_semaphore, #tpu.memory_space<semaphore_mem>>
            %dma_start3A_336 = arith.constant 0 : i32
            %dma_start3A_337 = tpu.memref_slice %arg4[%mul3A_327, %dma_start3A_336] : memref<100000x128xf32, #tpu.memory_space<hbm>> -> memref<400x128xf32, #tpu.memory_space<hbm>>
            %dma_start3A_338 = arith.constant 0 : i32
            %dma_start3A_339 = arith.constant 0 : i32
            %dma_start3A_340 = tpu.memref_slice %run_scoped3A_20[%rem3A_325, %dma_start3A_338, %dma_start3A_339] : memref<2x400x128xf32, #tpu.memory_space<vmem>> -> memref<1x400x128xf32, #tpu.memory_space<vmem>>
            %dma_start3A_341 = tpu.memref_squeeze %dma_start3A_340 : memref<1x400x128xf32, #tpu.memory_space<vmem>> -> memref<400x128xf32, #tpu.memory_space<vmem>>
            tpu.enqueue_dma source(%dma_start3A_341 : memref<400x128xf32, #tpu.memory_space<vmem>>) target(%dma_start3A_337 : memref<400x128xf32, #tpu.memory_space<hbm>>) target_semaphore(%dma_start3A_335 : memref<!tpu.dma_semaphore, #tpu.memory_space<semaphore_mem>>)
            "tpu.trace_stop"() : () -> ()
          } else {
          }
          %and3A_270 = arith.constant true
          %and3A_271 = arith.andi %or3A_266, %and3A_270 : i1
          %add3A_272 = arith.constant 1 : i32
          %add3A_273 = arith.addi %while3A_154, %add3A_272 : i32
          %select_n3A_274 = arith.select %and3A_271, %add3A_273, %while3A_154 : i32
          %ne3A_275 = arith.cmpi ne, %add3A_164, %add3A_174 : i32
          %or3A_276 = arith.constant false
          %or3A_277 = arith.ori %or3A_276, %ne3A_275 : i1
          %or3A_278 = arith.constant false
          %or3A_279 = arith.ori %or3A_277, %or3A_278 : i1
          %or3A_280 = arith.constant false
          %or3A_281 = arith.ori %or3A_279, %or3A_280 : i1
          %not3A_282 = arith.constant true
          %not3A_283 = arith.xori %eq3A_160, %not3A_282 : i1
          %and3A_284 = arith.andi %or3A_281, %not3A_283 : i1
          %convert_element_type3A_285 = arith.extui %and3A_284 : i1 to i32
          %cond3A_286 = arith.constant 0 : i32
          %cond3A_287 = arith.cmpi ne, %convert_element_type3A_285, %cond3A_286 : i32
          scf.if %cond3A_287 {
          } else {
          }
          %and3A_288 = arith.constant false
          %and3A_289 = arith.andi %and3A_284, %and3A_288 : i1
          %ne3A_290 = arith.cmpi ne, %add3A_164, %add3A_174 : i32
          %or3A_291 = arith.constant false
          %or3A_292 = arith.ori %or3A_291, %ne3A_290 : i1
          %or3A_293 = arith.constant false
          %or3A_294 = arith.ori %or3A_292, %or3A_293 : i1
          %not3A_295 = arith.constant true
          %not3A_296 = arith.xori %eq3A_160, %not3A_295 : i1
          %and3A_297 = arith.andi %or3A_294, %not3A_296 : i1
          %convert_element_type3A_298 = arith.extui %and3A_297 : i1 to i32
          %cond3A_299 = arith.constant 0 : i32
          %cond3A_300 = arith.cmpi ne, %convert_element_type3A_298, %cond3A_299 : i32
          scf.if %cond3A_300 {
            "tpu.trace_start"() <{level = 10 : i32, message = "ep_wait_out"}> : () -> ()
            %rem3A_324 = arith.constant 2 : i32
            %rem3A_325 = arith.remui %while3A_155, %rem3A_324 : i32
            %mul3A_326 = arith.constant 400 : i32
            %mul3A_327 = arith.muli %mul3A_326, %add3A_174 : i32
            %dma_wait3A = arith.constant 0 : i32
            %dma_wait3A_328 = arith.constant 0 : i32
            %dma_wait3A_329 = tpu.memref_slice %run_scoped3A_20[%rem3A_325, %dma_wait3A, %dma_wait3A_328] : memref<2x400x128xf32, #tpu.memory_space<vmem>> -> memref<1x400x128xf32, #tpu.memory_space<vmem>>
            %dma_wait3A_330 = tpu.memref_squeeze %dma_wait3A_329 : memref<1x400x128xf32, #tpu.memory_space<vmem>> -> memref<400x128xf32, #tpu.memory_space<vmem>>
            %dma_wait3A_331 = arith.constant 0 : i32
            %dma_wait3A_332 = tpu.memref_slice %arg4[%mul3A_327, %dma_wait3A_331] : memref<100000x128xf32, #tpu.memory_space<hbm>> -> memref<400x128xf32, #tpu.memory_space<hbm>>
            %dma_wait3A_333 = tpu.memref_slice %run_scoped3A_21[%rem3A_325] : memref<2x!tpu.dma_semaphore, #tpu.memory_space<semaphore_mem>> -> memref<1x!tpu.dma_semaphore, #tpu.memory_space<semaphore_mem>>
            %dma_wait3A_334 = tpu.memref_squeeze %dma_wait3A_333 : memref<1x!tpu.dma_semaphore, #tpu.memory_space<semaphore_mem>> -> memref<!tpu.dma_semaphore, #tpu.memory_space<semaphore_mem>>
            %dma_wait3A_335 = arith.constant 0 : i32
            %dma_wait3A_336 = tpu.memref_slice %arg4[%mul3A_327, %dma_wait3A_335] : memref<100000x128xf32, #tpu.memory_space<hbm>> -> memref<400x128xf32, #tpu.memory_space<hbm>>
            %dma_wait3A_337 = arith.constant 0 : i32
            %dma_wait3A_338 = arith.constant 0 : i32
            %dma_wait3A_339 = tpu.memref_slice %run_scoped3A_20[%rem3A_325, %dma_wait3A_337, %dma_wait3A_338] : memref<2x400x128xf32, #tpu.memory_space<vmem>> -> memref<1x400x128xf32, #tpu.memory_space<vmem>>
            %dma_wait3A_340 = tpu.memref_squeeze %dma_wait3A_339 : memref<1x400x128xf32, #tpu.memory_space<vmem>> -> memref<400x128xf32, #tpu.memory_space<vmem>>
            tpu.wait_dma2 semaphore(%dma_wait3A_334 : memref<!tpu.dma_semaphore, #tpu.memory_space<semaphore_mem>>) src(%dma_wait3A_340 : memref<400x128xf32, #tpu.memory_space<vmem>>) dst(%dma_wait3A_336 : memref<400x128xf32, #tpu.memory_space<hbm>>)
            "tpu.trace_stop"() : () -> ()
          } else {
          }
          %and3A_301 = arith.constant true
          %and3A_302 = arith.andi %and3A_297, %and3A_301 : i1
          %add3A_303 = arith.constant 1 : i32
          %add3A_304 = arith.addi %while3A_155, %add3A_303 : i32
          %select_n3A_305 = arith.select %and3A_302, %add3A_304, %while3A_155 : i32
          %ne3A_306 = arith.cmpi ne, %add3A_164, %add3A_182 : i32
          %or3A_307 = arith.constant false
          %or3A_308 = arith.ori %or3A_307, %ne3A_306 : i1
          %or3A_309 = arith.constant false
          %or3A_310 = arith.ori %or3A_308, %or3A_309 : i1
          %or3A_311 = arith.constant false
          %or3A_312 = arith.ori %or3A_310, %or3A_311 : i1
          %or3A_313 = arith.ori %or3A_312, %eq3A_163 : i1
          %add3A_314 = arith.constant 1 : i32
          %add3A_315 = arith.addi %while3A_153, %add3A_314 : i32
          %select_n3A_316 = arith.select %or3A_313, %add3A_315, %while3A_153 : i32
          %add3A_317 = arith.constant 1 : i32
          %add3A_318 = arith.addi %while3A_156, %add3A_317 : i32
          %select_n3A_319 = arith.constant true
          %select_n3A_320 = arith.select %select_n3A_319, %add3A_318, %while3A_156 : i32
          %eq3A_321 = arith.cmpi eq, %select_n3A_320, %select_n3A : i32
          %select_n3A_322 = arith.constant 0 : i32
          %select_n3A_323 = arith.select %eq3A_321, %select_n3A_322, %select_n3A_320 : i32
          scf.yield %select_n3A_208, %select_n3A_316, %select_n3A_274, %select_n3A_305, %select_n3A_323 : i32, i32, i32, i32, i32
        }
        %sub3A_100 = arith.constant 1 : i32
        %sub3A_101 = arith.subi %while3A_99#4, %sub3A_100 : i32
        %select_n3A_102 = arith.constant true
        %select_n3A_103 = arith.select %select_n3A_102, %sub3A_101, %while3A_99#4 : i32
        %eq3A_104 = arith.constant -1 : i32
        %eq3A_105 = arith.cmpi eq, %select_n3A_103, %eq3A_104 : i32
        %sub3A_106 = arith.constant 1 : i32
        %sub3A_107 = arith.subi %select_n3A, %sub3A_106 : i32
        %select_n3A_108 = arith.select %eq3A_105, %sub3A_107, %select_n3A_103 : i32
        %sub3A_109 = arith.constant 1 : i32
        %sub3A_110 = arith.subi %mul3A_18, %sub3A_109 : i32
        %mul3A_111 = arith.constant 1 : i32
        %mul3A_112 = arith.muli %mul3A_111, %select_n3A : i32
        %eq3A_113 = arith.constant 0 : i32
        %eq3A_114 = arith.cmpi eq, %sub3A_110, %eq3A_113 : i32
        %sub3A_115 = arith.constant 1 : i32
        %sub3A_116 = arith.subi %mul3A_112, %sub3A_115 : i32
        %eq3A_117 = arith.cmpi eq, %sub3A_110, %sub3A_116 : i32
        %add3A_118 = arith.addi %select_n3A_108, %select_n3A_16 : i32
        %sub3A_119 = arith.constant 1 : i32
        %sub3A_120 = arith.subi %select_n3A_108, %sub3A_119 : i32
        %select_n3A_121 = arith.constant true
        %select_n3A_122 = arith.select %select_n3A_121, %sub3A_120, %select_n3A_108 : i32
        %eq3A_123 = arith.constant -1 : i32
        %eq3A_124 = arith.cmpi eq, %select_n3A_122, %eq3A_123 : i32
        %sub3A_125 = arith.constant 1 : i32
        %sub3A_126 = arith.subi %select_n3A, %sub3A_125 : i32
        %select_n3A_127 = arith.select %eq3A_124, %sub3A_126, %select_n3A_122 : i32
        %add3A_128 = arith.addi %select_n3A_127, %select_n3A_16 : i32
        %add3A_129 = arith.constant 1 : i32
        %add3A_130 = arith.addi %select_n3A_108, %add3A_129 : i32
        %select_n3A_131 = arith.constant true
        %select_n3A_132 = arith.select %select_n3A_131, %add3A_130, %select_n3A_108 : i32
        %eq3A_133 = arith.cmpi eq, %select_n3A_132, %select_n3A : i32
        %select_n3A_134 = arith.constant 0 : i32
        %select_n3A_135 = arith.select %eq3A_133, %select_n3A_134, %select_n3A_132 : i32
        %add3A_136 = arith.addi %select_n3A_135, %select_n3A_16 : i32
        %add3A_137 = arith.constant 1 : i32
        %add3A_138 = arith.addi %select_n3A_135, %add3A_137 : i32
        %select_n3A_139 = arith.constant true
        %select_n3A_140 = arith.select %select_n3A_139, %add3A_138, %select_n3A_135 : i32
        %eq3A_141 = arith.cmpi eq, %select_n3A_140, %select_n3A : i32
        %select_n3A_142 = arith.constant 0 : i32
        %select_n3A_143 = arith.select %eq3A_141, %select_n3A_142, %select_n3A_140 : i32
        %add3A_144 = arith.addi %select_n3A_143, %select_n3A_16 : i32
        %convert_element_type3A_145 = arith.extui %eq3A_117 : i1 to i32
        %cond3A_146 = arith.constant 0 : i32
        %cond3A_147 = arith.cmpi ne, %convert_element_type3A_145, %cond3A_146 : i32
        scf.if %cond3A_147 {
        } else {
        }
        %convert_element_type3A_148 = arith.extui %eq3A_117 : i1 to i32
        %cond3A_149 = arith.constant 0 : i32
        %cond3A_150 = arith.cmpi ne, %convert_element_type3A_148, %cond3A_149 : i32
        scf.if %cond3A_150 {
          "tpu.trace_start"() <{level = 10 : i32, message = "ep_finalize"}> : () -> ()
          %rem3A_151 = arith.constant 2 : i32
          %rem3A_152 = arith.remui %while3A_99#3, %rem3A_151 : i32
          %mul3A_153 = arith.constant 400 : i32
          %mul3A_154 = arith.muli %mul3A_153, %add3A_118 : i32
          %dma_wait3A = arith.constant 0 : i32
          %dma_wait3A_155 = arith.constant 0 : i32
          %dma_wait3A_156 = tpu.memref_slice %run_scoped3A_20[%rem3A_152, %dma_wait3A, %dma_wait3A_155] : memref<2x400x128xf32, #tpu.memory_space<vmem>> -> memref<1x400x128xf32, #tpu.memory_space<vmem>>
          %dma_wait3A_157 = tpu.memref_squeeze %dma_wait3A_156 : memref<1x400x128xf32, #tpu.memory_space<vmem>> -> memref<400x128xf32, #tpu.memory_space<vmem>>
          %dma_wait3A_158 = arith.constant 0 : i32
          %dma_wait3A_159 = tpu.memref_slice %arg4[%mul3A_154, %dma_wait3A_158] : memref<100000x128xf32, #tpu.memory_space<hbm>> -> memref<400x128xf32, #tpu.memory_space<hbm>>
          %dma_wait3A_160 = tpu.memref_slice %run_scoped3A_21[%rem3A_152] : memref<2x!tpu.dma_semaphore, #tpu.memory_space<semaphore_mem>> -> memref<1x!tpu.dma_semaphore, #tpu.memory_space<semaphore_mem>>
          %dma_wait3A_161 = tpu.memref_squeeze %dma_wait3A_160 : memref<1x!tpu.dma_semaphore, #tpu.memory_space<semaphore_mem>> -> memref<!tpu.dma_semaphore, #tpu.memory_space<semaphore_mem>>
          %dma_wait3A_162 = arith.constant 0 : i32
          %dma_wait3A_163 = tpu.memref_slice %arg4[%mul3A_154, %dma_wait3A_162] : memref<100000x128xf32, #tpu.memory_space<hbm>> -> memref<400x128xf32, #tpu.memory_space<hbm>>
          %dma_wait3A_164 = arith.constant 0 : i32
          %dma_wait3A_165 = arith.constant 0 : i32
          %dma_wait3A_166 = tpu.memref_slice %run_scoped3A_20[%rem3A_152, %dma_wait3A_164, %dma_wait3A_165] : memref<2x400x128xf32, #tpu.memory_space<vmem>> -> memref<1x400x128xf32, #tpu.memory_space<vmem>>
          %dma_wait3A_167 = tpu.memref_squeeze %dma_wait3A_166 : memref<1x400x128xf32, #tpu.memory_space<vmem>> -> memref<400x128xf32, #tpu.memory_space<vmem>>
          tpu.wait_dma2 semaphore(%dma_wait3A_161 : memref<!tpu.dma_semaphore, #tpu.memory_space<semaphore_mem>>) src(%dma_wait3A_167 : memref<400x128xf32, #tpu.memory_space<vmem>>) dst(%dma_wait3A_163 : memref<400x128xf32, #tpu.memory_space<hbm>>)
          "tpu.trace_stop"() : () -> ()
        } else {
        }
      } else {
      }
      tpu.yield
    }) : () -> ()
    return
  }
}

</mosaic_0001>

<sc_bundles>
// kernel: kernel.3.cloned.1.call-start
scs
__scs_entry_jumppad:
0x0: {  	(pc) =	sbr.rel $0x88, $3  }
0x1: {  	(tag) =	ssettag $0x0;
	lr =	simm.s32 $0x1  }
0x2: {  	[smem:$0x3F9F] =	sst lr;
	_ =	strace $0xD0000000  }
0x3: {  	_ = 	snop  }
0x4: {  	_ = 	snop  }
0x5: {  	_ = 	snop  }
0x6: {  	_ = 	snop  }
0x7: {  	_ = 	snop  }
__scs_overlays_trampoline_lowered:
0x8: {  	[smem:$0x3FAE] =	sst s0  }
0x9: {  	[smem:$0x3FAF] =	sst s1  }
0xa: {  	[smem:$0x3FB0] =	sst s2  }
0xb: {  	[smem:$0x3FB1] =	sst s3  }
0xc: {  	[smem:$0x3FB2] =	sst s4  }
0xd: {  	[smem:$0x3FB3] =	sst s5  }
0xe: {  	[smem:$0x3FB4] =	sst s6  }
0xf: {  	[smem:$0x3FB5] =	sst s7  }
0x10: {  	[smem:$0x3FB6] =	sst s8  }
0x11: {  	[smem:$0x3FB7] =	sst s9;
	s0 =	simm.s32 @!p0 $0x0  }
0x12: {  	s1 =	sld [smem:$0x3F9D];
	s0 =	simm.s32 @p0 $0x1  }
0x13: {  	[smem:$0x3FB8] =	sst s0;
	s0 =	simm.s32 @!p1 $0x0  }
0x14: {  	s2 =	sld [smem:$0x3F9C];
	s0 =	simm.s32 @p1 $0x1  }
0x15: {  	[smem:$0x3FB9] =	sst s0;
	s0 =	simm.s32 @!p2 $0x0  }
0x16: {  	s3 =	sld [smem:$0x3FDB];
	s0 =	simm.s32 @p2 $0x1  }
0x17: {  	s4 =	simm.s32 $0x1BF5;
	[smem:$0x3FBB] =	sst s0  }
0x18: {  	s0 =	sld [smem:$0x3F9E];
	_ =	swait.ge [sflag:s4], $0x0  }
0x19: {  	s7 =	sld [smem:$0x3F9F]  }
0x1a: {  	s8 =	sadd.s32 $0xFFFFE003, lr  }
0x1b: {  	s9 =	sadd.s32 $0xFFFFFEF7, lr;
	s5 =	simm.s32 $0xFFFFFFFF;
	p2 =	slt.u32 s8, $0xFFFFF086  }
0x1c: {  	p1 =	slt.u32 s9, $0xF7A;
	s5 =	simm.s32 @!p2 $0x0  }
0x1d: {  	s5 =	simm.s32 @p1 $0x1;
	p0 =	seq.s32 s7, s2  }
0x1e: {  	s7 =	smul.u32 @!p0 $0xF7A, s2;
	p2 =	seq.s32 @!p0 s5, $0x0  }
0x1f: {  	s9 =	smul.u32 $0xF7A, s1;
	s8 =	simm.s32 @!p0 $0x1BF5;
	p2 =	por !p2, p0  }
0x20: {  	[sflag:s8] =	ssyncset.s32 @!p0 $0xFFFFF086;
	s6 =	sadd.s32 @!p0 s3, s7;
	s7 =	simm.s32 @!p0 $0x108  }
0x21: {  	s3 =	sadd.s32 s3, s9;
	s6 =	sadd.s32 @!p0 $0x88, s6;
	s7 =	simm.s32 @p2 $0x1082  }
0x22: {  	[simem:s7], [sflag:s8] =	dma.local @!p0 [hbm:s6], $0xF7A  }
0x23: {  	s9 =	sor.u32 $0xD0000000, s2;
	s6 =	simm.s32 $0x108;
	_ =	swait.ge @!p0 [sflag:s8], $0x0  }
0x24: {  	s3 =	sadd.s32 $0x88, s3;
	s6 =	simm.s32 @!p1 $0x1082;
	[sflag:s4] =	ssyncset.s32 $0xFFFFF086  }
0x25: {  	[simem:s6], [sflag:s4] =	dma.local [hbm:s3], $0xF7A  }
0x26: {  	[smem:$0x3F9F] =	sst s1;
	(tag) =	ssettag s2;
	_ =	strace s9  }
0x27: {  	s1 =	sld [smem:$0x3FAF]  }
0x28: {  	s2 =	sld [smem:$0x3FB0]  }
0x29: {  	s4 =	sld [smem:$0x3FB2]  }
0x2a: {  	p0 =	seq.s32 s5, $0x0;
	s5 =	sld [smem:$0x3FB3]  }
0x2b: {  	s6 =	sld [smem:$0x3FB4]  }
0x2c: {  	s7 =	sld [smem:$0x3FB5]  }
0x2d: {  	s3 =	simm.s32 $0x108;
	s8 =	sld [smem:$0x3FB6]  }
0x2e: {  	s3 =	simm.s32 @!p0 $0x1082;
	s9 =	sld [smem:$0x3FB7]  }
0x2f: {  	lr =	sadd.s32 s0, s3;
	s0 =	sld [smem:$0x3FAE]  }
0x30: {  	s3 =	sld [smem:$0x3FB1]  }
0x31: {  	[smem:$0x3FBA] =	sst s10  }
0x32: {  	s10 =	sld [smem:$0x3FB8];
	_ =	sdelay $0x3  }
0x33: {  	p0 =	seq.s32 s10, $0x1;
	s10 =	sld [smem:$0x3FBA];
	_ =	sdelay $0x3  }
0x34: {  	[smem:$0x3FBA] =	sst s10  }
0x35: {  	s10 =	sld [smem:$0x3FB9];
	_ =	sdelay $0x3  }
0x36: {  	p1 =	seq.s32 s10, $0x1;
	s10 =	sld [smem:$0x3FBA];
	_ =	sdelay $0x3  }
0x37: {  	[smem:$0x3FBA] =	sst s10  }
0x38: {  	s10 =	sld [smem:$0x3FBB]  }
0x39: {  	_ = 	snop;
	(pc) =	sbr.ind lr, $3  }
0x3a: {  	_ = 	snop  }
0x3b: {  	_ = 	snop  }
0x3c: {  	p2 =	seq.s32 s10, $0x1;
	s10 =	sld [smem:$0x3FBA]  }
0x3d: {  	_ =	shalt  }
0x3e: {  	_ =	shalt  }
0x3f: {  	_ =	shalt  }
0x40: {  	_ =	shalt  }
0x41: {  	_ =	shalt  }
0x42: {  	_ =	shalt  }
0x43: {  	_ =	shalt  }
0x44: {  	_ =	shalt  }
0x45: {  	_ =	shalt  }
0x46: {  	_ =	shalt  }
0x47: {  	_ =	shalt  }
0x48: {  	_ =	shalt  }
0x49: {  	_ =	shalt  }
0x4a: {  	_ =	shalt  }
0x4b: {  	_ =	shalt  }
0x4c: {  	_ =	shalt  }
0x4d: {  	_ =	shalt  }
0x4e: {  	_ =	shalt  }
0x4f: {  	_ =	shalt  }
0x50: {  	_ =	shalt  }
0x51: {  	_ =	shalt  }
0x52: {  	_ =	shalt  }
0x53: {  	_ =	shalt  }
0x54: {  	_ =	shalt  }
0x55: {  	_ =	shalt  }
0x56: {  	_ =	shalt  }
0x57: {  	_ =	shalt  }
0x58: {  	_ =	shalt  }
0x59: {  	_ =	shalt  }
0x5a: {  	_ =	shalt  }
0x5b: {  	_ =	shalt  }
0x5c: {  	_ =	shalt  }
0x5d: {  	_ =	shalt  }
0x5e: {  	_ =	shalt  }
0x5f: {  	_ =	shalt  }
0x60: {  	_ =	shalt  }
0x61: {  	_ =	shalt  }
0x62: {  	_ =	shalt  }
0x63: {  	_ =	shalt  }
0x64: {  	_ =	shalt  }
0x65: {  	_ =	shalt  }
0x66: {  	_ =	shalt  }
0x67: {  	_ =	shalt  }
0x68: {  	_ =	shalt  }
0x69: {  	_ =	shalt  }
0x6a: {  	_ =	shalt  }
0x6b: {  	_ =	shalt  }
0x6c: {  	_ =	shalt  }
0x6d: {  	_ =	shalt  }
0x6e: {  	_ =	shalt  }
0x6f: {  	_ =	shalt  }
0x70: {  	_ =	shalt  }
0x71: {  	_ =	shalt  }
0x72: {  	_ =	shalt  }
0x73: {  	_ =	shalt  }
0x74: {  	_ =	shalt  }
0x75: {  	_ =	shalt  }
0x76: {  	_ =	shalt  }
0x77: {  	_ =	shalt  }
0x78: {  	_ =	shalt  }
0x79: {  	_ =	shalt  }
0x7a: {  	_ =	shalt  }
0x7b: {  	_ =	shalt  }
0x7c: {  	_ =	shalt  }
0x7d: {  	_ =	shalt  }
0x7e: {  	_ =	shalt  }
0x7f: {  	_ =	shalt  }
0x80: {  	_ =	shalt  }
0x81: {  	_ =	shalt  }
0x82: {  	_ =	shalt  }
0x83: {  	_ =	shalt  }
0x84: {  	_ =	shalt  }
0x85: {  	_ =	shalt  }
0x86: {  	_ =	shalt  }
0x87: {  	_ =	shalt  }
.Lfunc_end0:
.L_simem_size_0:
called_computation_lowered:
.L_overlay_start_0:
0x88: {  	s2 =	sld [smem:$0x3FD9]  }
0x89: {  	s3 =	sld [smem:$0x3FFE];
	_ =	sdelay $0x1  }
0x8a: {  	s1 =	srdreg.scid  }
0x8b: {  	s0 =	sand.u32 $0x1, s1  }
0x8c: {  	s17 =	sshll.u32 s0, $0xA;
	s2 =	sadd.s32 s3, s2  }
0x8d: {  	s2 =	sadd.s32 s2, s17  }
0x8e: {  	[smem:$0x3FC6] =	sst s2  }
0x8f: {  	_ = 	snop  }
0x90: {  	s2 =	sld [smem:$0x3FC8]  }
0x91: {  	s18 =	sld [smem:$0x3FD0];
	(tm) =	ssettm $0x1  }
0x92: {  	s4 =	sld [smem:$0x3FFB];
	_ =	sdelay $0x3  }
0x93: {  	_ =	strace s4  }
0x94: {  	s4 =	sld [smem:$0x3FFC];
	_ =	sdelay $0x3  }
0x95: {  	_ =	strace s4  }
0x96: {  	s4 =	sld [smem:$0x3FFD];
	_ =	sdelay $0x3  }
0x97: {  	_ =	strace s4  }
0x98: {  	_ =	strace $0x8FFFFFFF  }
0x99: {  	s19 =	sld [smem:$0x3FDB];
	_ =	sdelay $0x1  }
0x9a: {  	s5 =	simm.s32 $_scs_section_size  }
0x9b: {  	s6 =	simm.s32 $_size__tile_overlayer_lowered;
	s7 =	simm.s32 $_tile_overlayer_lowered  }
0x9c: {  	s22 =	simm.s32 $0x1BFF;
	s21 =	sshll.u32 s7, $0x1;
	s4 =	sadd.s32 s5, s19  }
0x9d: {  	s8 =	simm.s32 $0x0;
	s20 =	sshll.u32 s6, $0x1;
	s6 =	sadd.s32 s21, s4  }
0x9e: {  	[timem:s8], [sflag:s22] =	dma.local [hbm:s6], s20  }
0x9f: {  	_ =	swait.ge [sflag:s22], s20  }
0xa0: {  	s5 =	ssub.s32 $0x0, s20;
	[sflag:s22] =	ssyncset.done $0x0  }
0xa1: {  	[sflag:s22] =	ssyncadd.s32 s5;
	_ =	sdelay $0x1  }
0xa2: {  	s23 =	simm.s32 $0x1B8B  }
0xa3: {  	_ =	swait.ge [sflag:s23], $0x1  }
0xa4: {  	[sflag:s23] =	ssyncset.done $0x0  }
0xa5: {  	s25 =	simm.s32 $0x1B8E;
	s24 =	sld [smem:$0x3FFE];
	[sflag:s23] =	ssyncadd.s32 $0xFFFFFFFF  }
0xa6: {  	s26 =	simm.s32 $execute0_lowered;
	[smem:$0x3FD2] =	sst s25  }
0xa7: {  	s6 =	sshll.u32 s26, $0x1;
	_ =	strace $0x80000046;
	[dreg:$0x1] =	wrdreg $0xFFFFFFFF  }
0xa8: {  	s28 =	simm.s32 $_size_execute0_lowered;
	s4 =	sadd.s32 s4, s6;
	[dreg:$0x0] =	wrdreg $0x0  }
0xa9: {  	s6 =	sshll.u32 s28, $0x1;
	[dreg:$0x2] =	wrdreg s4  }
0xaa: {  	[dreg:$0x3] =	wrdreg s6  }
0xab: {  	[dreg:$0x4] =	wrdreg $0xC0  }
0xac: {  	_ =	task [dreg:s8], $0x5FFFF  }
0xad: {  	[dreg:$0x1] =	wrdreg $0xFFFFFFFF  }
0xae: {  	[dreg:$0x0] =	wrdreg $0x60  }
0xaf: {  	[dreg:$0x2] =	wrdreg s2  }
0xb0: {  	[dreg:$0x3] =	wrdreg s24  }
0xb1: {  	[dreg:$0x4] =	wrdreg s18  }
0xb2: {  	[dreg:$0x5] =	wrdreg $0x0  }
0xb3: {  	[dreg:$0x6] =	wrdreg $0x9  }
0xb4: {  	_ =	task.clear_ibuf [dreg:s8], $0x7FFFF;
	_ =	strace $0x90000046  }
0xb5: {  	s29 =	simm.s32 $0x9;
	_ =	strace $0x8000004F  }
0xb6: {  	_ =	swait.ge [sflag:s29], $0x1  }
0xb7: {  	[sflag:s29] =	ssyncadd.s32 $0xFFFFFFFF  }
0xb8: {  	_ =	strace $0x9000004F  }
0xb9: {  	_ =	sfence  }
0xba: {  	s30 =	sld [smem:$0x0];
	_ =	sdelay $0x2  }
0xbb: {  	s31 =	sshll.u32 s1, $0xD;
	s1 =	sshrl.u32 s1, $0x2  }
0xbc: {  	s3 =	sand.u32 $0x4000, s31;
	s1 =	sadd.s32 s1, s30  }
0xbd: {  	s0 =	sor.u32 s3, s0;
	s1 =	sshll.u32 s1, $0x11  }
0xbe: {  	s0 =	sor.u32 s1, s0  }
0xbf: {  	s0 =	sadd.s32 $0x8F2B, s0  }
0xc0: {  	[sflag:s0] =	ssyncadd.remote.s32 $0x1  }
0xc1: {  	_ =	sfence.sel $0xFFFF  }
0xc2: {  	[dreg:$0x0] =	wrdreg $0xFFFFFFFF;
	(pc) =	sbr.abs _section_cstart, $3  }
0xc3: {  	[dreg:$0x1] =	wrdreg $0xFFFFFFFF  }
0xc4: {  	_ =	task.clear_ibuf [dreg:s8], $0x2FFFF;
	_ =	strace $0x9FFFFFFF  }
0xc5: {  	(tm) =	ssettm $0x7FFFFFFF  }
tec
execute0_lowered:
.L_overlay_start_1:
0x0: {  	(tag) =	ssettag $0x1  }
0x1: {  	s1 =	rddreg [dreg:$0x1];
	s2 =	srdreg.scid  }
0x2: {  	s3 =	rddreg [dreg:$0x2];
	s8 =	stileid.u32  }
0x3: {  	s31 =	simm.s32 $0x190;
	s13 =	simm.s32 $0x5;
	[dreg:$0x6] =	wrdreg s3  }
0x4: {  	s5 =	sand.u32 $0x1, s2;
	s2 =	rddreg [dreg:$0x3];
	s3 =	simm.s32 $0x0  }
0x5: {  	s14 =	simm.s32 $0x0;
	s28 =	sshll.u32 s5, $0x4;
	[smem:$0x7FF] =	sst s3  }
0x6: {  	s29 =	ssub.s32 $0x2, s5;
	s5 =	sadd.s32 $0x400, s1;
	s4 =	sor.u32 s8, s28  }
0x7: {  	_ =	strace $0x80000047;
	s30 =	sshrl.u32 s29, $0x1;
	s6 =	smul.u32 $0x7, s4  }
0x8: {  	[dreg:$0x5] =	wrdreg s31;
	p0 =	slt.u32 s4, $0x1A;
	s7 =	sshll.u32 s4, $0x3  }
0x9: {  	s1 =	ssub.s32 s29, s30;
	s4 =	sadd.s32 $0x1A, s6;
	s6 =	simm.s32 $0x8  }
0xa: {  	s4 =	smov.u32 @p0 s7;
	s6 =	simm.s32 @!p0 $0x7;
	p0 =	sne.s32 s8, $0x0  }
0xb: {  	s9 =	smax.u32 s1, $0x1;
	s7 =	sshll.u32 s4, $0x6;
	s0 =	simm.s32 @!p0 $0x0  }
0xc: {  	s8 =	sadd.s32 $0xFFFFFFFF, s6;
	s7 =	sand.u32 $0x1FFFFFC0, s7;
	s0 =	simm.s32 @p0 $0x1  }
0xd: {  	s10 =	sshrl.u32 @!p0 s2, $0x3;
	s7 =	sadd.s32 s5, s7;
	[smem:$0x7FD] =	sst s0  }
.LBB2_1:
0xe: {  	s0 =	sld [smem:$0x7FD];
	_ =	sdelay $0x2  }
0xf: {  	p0 =	seq.s32 s0, $0x1  }
0x10: {  	s30 =	simm.s32 $0x18;
	s0 =	rddreg [dreg:$0x0];
	s1 =	simm.s32 @!p0 $0x1C01  }
0x11: {  	[spmem:s10], [sflag:s1] =	dma.local @!p0 [hbm:s0], $0x30  }
0x12: {  	p1 =	seq.s32 s6, $0x1;
	s16 =	simm.s32 $0x1;
	s1 =	simm.s32 @!p0 $0x1  }
0x13: {  	p2 =	sgt.s32 s8, $0x0;
	s15 =	simm.s32 $0x1;
	_ =	swait.ge @!p0 [sflag:s1], $0x30  }
0x14: {  	p4 =	sne.s32 s6, $0x1;
	s16 =	simm.s32 @p1 $0x0;
	[sflag:s1] =	ssyncset.done @!p0 $0x0  }
.Ltmp0:
0x15: {  	p1 =	sne.s32 s16, $0x0;
	[sflag:s1] =	ssyncadd.s32 @!p0 $0xFFFFFFD0;
	(pc) =	sbr.rel @!p4 .LBB2_2-.Ltmp0, $4  }
0x16: {  	p3 =	por $0x0, $0x0;
	p2 =	por !p2, !p1;
	[bflag:$0x0] =	sbarrier.arrive $0xFFFF  }
0x17: {  	p2 =	por !p2, !p2;
	s0 =	simm.s32 $0x1;
	_ =	strace $0x80000048  }
0x18: {  	[tilespmem:s30], [sflag:$0x1] =	stream.linear.gather [hbm4b:s7+s3], $0x200, $0x200038;
	[tilespmem:$0x19418] =	vst v63  }
0x19: {  	s31 =	sadd.s32 @p2 s4, s16;
	s28 =	sand.u32 @p2 $0x1, s0;
	_ =	strace $0x90000048  }
0x1a: {  	s1 =	sshll.u32 @p2 s31, $0x6;
	s17 =	sshll.u32 @p2 s28, $0x9  }
0x1b: {  	s18 =	sadd.s32 @p2 $0x1, s28;
	s19 =	simm.s32 @p2 $0x0;
	_ =	strace @p2 $0x80000049  }
0x1c: {  	s24 =	sand.u32 $0x1, s3;
	s22 =	simm.s32 $0x0;
	s20 =	simm.s32 $0x2  }
0x1d: {  	p3 =	por $0x1, $0x1;
	p6 =	sne.s32 s6, $0x2;
	p0 =	seq.s32 s8, $0x0  }
0x1e: {  	s29 =	simm.s32 $0x1;
	s1 =	sand.u32 @p2 $0x1FFFFFC0, s1;
	s17 =	sor.u32 @p2 $0x18, s17  }
0x1f: {  	s21 =	sadd.s32 $0x1, s24;
	s23 =	smul.u32 $0x32000, s24;
	s1 =	sadd.s32 @p2 s5, s1  }
0x20: {  	[tilespmem:s17], [sflag:s18] =	stream.linear.gather @p2 [hbm4b:s1+s19], $0x200, $0x200038;
	[tilespmem:$0x19418] =	vst v63  }
0x21: {  	p4 =	por p3, p3;
	s17 =	sand.u32 $0x200, s22;
	s18 =	sand.u32 @!p3 $0x1, s3  }
0x22: {  	s19 =	sadd.s32 $0x0, s4;
	s1 =	sshrl.u32 s23, $0x2;
	_ =	strace @p2 $0x90000049  }
0x23: {  	p3 =	por $0x0, $0x0;
	s23 =	sadd.s32 $0x1, s16;
	_ =	strace $0x8000004A  }
0x24: {  	s26 =	sor.u32 $0x418, s1;
	s25 =	sor.u32 $0x18, s17;
	_ =	swait.ge [sflag:s21], $0x200  }
0x25: {  	s1 =	simm.s32 $0x1;
	p5 =	seq.s32 s23, s6;
	[sflag:s21] =	ssyncset.done $0x0  }
0x26: {  	s17 =	simm.s32 $0x0;
	s1 =	simm.s32 @!p2 $0x0;
	[sflag:s21] =	ssyncadd.s32 $0xFFFFFE00  }
0x27: {  	s23 =	simm.s32 @p5 $0x0;
	p5 =	por p0, p1;
	_ =	strace $0x9000004A  }
0x28: {  	p1 =	sne.s32 s16, s23;
	s30 =	smul.u32 @p5 $0xC800, s19;
	_ =	strace $0x8000004B  }
0x29: {  	s21 =	sadd.s32 @!p4 $0x3, s18;
	s18 =	simm.s32 $0x1;
	s22 =	rddreg [dreg:$0x5]  }
0x2a: {  	[tilespmem:s26], [sflag:$0x5] =	stream.indirect.gather [spmem:s2], $0x80, s25, s22, $0x2000b8;
	[tilespmem:$0x19418] =	vst v63  }
0x2b: {  	s29 =	simm.s32 @!p5 $0x0;
	s18 =	simm.s32 @!p3 $0x0;
	_ =	swait.ge [sflag:s13], $0xC800  }
.Ltmp1:
0x2c: {  	p3 =	sgt.s32 s8, $0x1;
	[sflag:s13] =	ssyncset.done $0x0;
	(pc) =	sbr.rel @!p6 .LBB2_4-.Ltmp1, $4  }
0x2d: {  	s19 =	simm.s32 $0x0;
	p2 =	por !p3, !p1;
	[sflag:s13] =	ssyncadd.s32 $0xFFFF3800  }
0x2e: {  	p3 =	por $0x1, $0x1;
	p2 =	por !p2, !p2;
	_ =	strace $0x9000004B  }
0x2f: {  	s25 =	sadd.s32 $0x1, s1;
	s31 =	sadd.s32 @p2 s4, s23;
	_ =	strace @p5 $0x8000004C  }
0x30: {  	s22 =	simm.s32 $0x0;
	s28 =	sand.u32 @p2 $0x1, s25;
	s1 =	rddreg [dreg:$0x6]  }
.LBB2_5:
0x31: {  	s31 =	sshll.u32 @p2 s31, $0x6;
	s11 =	simm.s32 @p5 $0x0;
	s12 =	sshll.u32 @p2 s28, $0x9  }
0x32: {  	s24 =	sadd.s32 @p5 $0x3, s24;
	s19 =	sadd.s32 s29, s19;
	s22 =	sadd.s32 s29, s22  }
0x33: {  	s17 =	sadd.s32 s18, s17;
	s18 =	sadd.s32 @p2 $0x1, s28;
	s0 =	sshrl.u32 @p5 s30, $0x3  }
0x34: {  	s29 =	simm.s32 $0x1;
	s30 =	smov.u32 s15;
	s0 =	sadd.s32 @p5 s1, s0  }
0x35: {  	[hbm4b:s0+s11] =	stream.linear.scatter @p5 [tilespmem:s26], [sflag:s24], $0xC800, $0x200038;
	[tilespmem:$0x19418] =	vst v63  }
0x36: {  	s15 =	smov.u32 s20;
	s31 =	sand.u32 @p2 $0x1FFFFFC0, s31;
	_ =	strace @p5 $0x9000004C  }
0x37: {  	s12 =	sor.u32 @p2 $0x18, s12;
	s20 =	sadd.s32 $0x1, s20;
	_ =	strace @!p4 $0x8000004D  }
0x38: {  	s31 =	sadd.s32 @p2 s5, s31;
	p6 =	sne.s32 s6, s20;
	_ =	swait.ge @!p4 [sflag:s21], $0xC800  }
0x39: {  	s26 =	sand.u32 $0x1, s22;
	s24 =	sshll.u32 s22, $0x9;
	[sflag:s21] =	ssyncset.done @!p4 $0x0  }
0x3a: {  	s1 =	sand.u32 $0x200, s24;
	p5 =	seq.s32 s30, $0x0;
	[sflag:s21] =	ssyncadd.s32 @!p4 $0xFFFF3800  }
0x3b: {  	s0 =	sadd.s32 $0x1, s26;
	s24 =	sand.u32 $0x1, s19;
	_ =	strace @!p4 $0x9000004D  }
0x3c: {  	s11 =	sand.u32 @!p5 $0x1, s17;
	s21 =	simm.s32 @p2 $0x0;
	_ =	strace @p2 $0x80000049  }
0x3d: {  	[tilespmem:s12], [sflag:s18] =	stream.linear.gather @p2 [hbm4b:s31+s21], $0x200, $0x200038;
	[tilespmem:$0x19418] =	vst v63  }
0x3e: {  	s26 =	smul.u32 $0x32000, s24;
	p4 =	por p5, p5;
	_ =	strace @p2 $0x90000049  }
0x3f: {  	p5 =	sne.s32 s30, $0x0;
	s12 =	sadd.s32 s4, s16;
	_ =	strace $0x8000004A  }
0x40: {  	s16 =	smov.u32 s23;
	s21 =	sadd.s32 @!p4 $0x3, s11;
	_ =	swait.ge [sflag:s0], $0x200  }
0x41: {  	s11 =	sor.u32 $0x18, s1;
	s18 =	simm.s32 $0x1;
	[sflag:s0] =	ssyncset.done $0x0  }
0x42: {  	s23 =	sadd.s32 $0x1, s23;
	s18 =	simm.s32 @!p5 $0x0;
	[sflag:s0] =	ssyncadd.s32 $0xFFFFFE00  }
0x43: {  	p5 =	seq.s32 s8, s30;
	p0 =	seq.s32 s23, s6;
	_ =	strace $0x9000004A  }
0x44: {  	s23 =	simm.s32 @p0 $0x0;
	s0 =	sshrl.u32 s26, $0x2;
	_ =	strace $0x8000004B  }
0x45: {  	p5 =	por p5, p1;
	s26 =	sor.u32 $0x418, s0;
	s28 =	rddreg [dreg:$0x5]  }
0x46: {  	[tilespmem:s26], [sflag:$0x5] =	stream.indirect.gather [spmem:s2], $0x80, s11, s28, $0x2000b8;
	[tilespmem:$0x19418] =	vst v63  }
0x47: {  	p1 =	sne.s32 s16, s23;
	s30 =	smul.u32 @p5 $0xC800, s12;
	_ =	swait.ge [sflag:s13], $0xC800  }
.Ltmp2:
0x48: {  	s0 =	simm.s32 $0x1;
	[sflag:s13] =	ssyncset.done $0x0;
	(pc) =	sbr.rel @p6 .LBB2_5-.Ltmp2, $4  }
0x49: {  	s0 =	simm.s32 @!p2 $0x0;
	p2 =	slt.s32 s15, s8;
	[sflag:s13] =	ssyncadd.s32 $0xFFFF3800  }
0x4a: {  	s29 =	simm.s32 @!p5 $0x0;
	p0 =	por !p2, !p1;
	_ =	strace $0x9000004B  }
0x4b: {  	s25 =	sadd.s32 s0, s25;
	p2 =	por !p0, !p0;
	_ =	strace @p5 $0x8000004C  }
0x4c: {  	s28 =	sand.u32 @p2 $0x1, s25;
	s31 =	sadd.s32 @p2 s4, s23;
	s1 =	rddreg [dreg:$0x6]  }
.LBB2_6:
0x4d: {  	p0 =	por !p5, !p3  }
0x4e: {  	s0 =	sshrl.u32 @!p0 s30, $0x3  }
0x4f: {  	s11 =	simm.s32 @!p0 $0x0;
	s12 =	sadd.s32 @!p0 $0x3, s24;
	s0 =	sadd.s32 @!p0 s1, s0  }
0x50: {  	[hbm4b:s0+s11] =	stream.linear.scatter @!p0 [tilespmem:s26], [sflag:s12], $0xC800, $0x200038;
	[tilespmem:$0x19418] =	vst v63  }
0x51: {  	_ =	strace @!p0 $0x9000004C;
	p0 =	por p4, !p3  }
0x52: {  	_ =	strace @!p0 $0x8000004D  }
0x53: {  	s20 =	simm.s32 @p2 $0x0;
	s1 =	sshll.u32 @p2 s28, $0x9;
	_ =	swait.ge @!p0 [sflag:s21], $0xC800  }
0x54: {  	s0 =	sshll.u32 @p2 s31, $0x6;
	s1 =	sor.u32 @p2 $0x18, s1;
	[sflag:s21] =	ssyncset.done @!p0 $0x0  }
0x55: {  	s11 =	sadd.s32 @p3 s29, s22;
	s12 =	simm.s32 $0x0;
	[sflag:s21] =	ssyncadd.s32 @!p0 $0xFFFF3800  }
0x56: {  	s0 =	sand.u32 @p2 $0x1FFFFFC0, s0;
	s12 =	smov.u32 @p3 s11;
	_ =	strace @!p0 $0x9000004D  }
0x57: {  	s11 =	sadd.s32 @p2 $0x1, s28;
	s0 =	sadd.s32 @p2 s5, s0;
	_ =	strace @p2 $0x80000049  }
0x58: {  	[tilespmem:s1], [sflag:s11] =	stream.linear.gather @p2 [hbm4b:s0+s20], $0x200, $0x200038;
	[tilespmem:$0x19418] =	vst v63  }
0x59: {  	s26 =	sand.u32 $0x1, s12;
	_ =	strace @p2 $0x90000049  }
0x5a: {  	s0 =	sadd.s32 $0x1, s26;
	_ =	strace $0x8000004A  }
0x5b: {  	s1 =	sadd.s32 @p3 s29, s19;
	s11 =	simm.s32 $0x0;
	_ =	swait.ge [sflag:s0], $0x200  }
0x5c: {  	s11 =	smov.u32 @p3 s1;
	[sflag:s0] =	ssyncset.done $0x0  }
0x5d: {  	[sflag:s0] =	ssyncadd.s32 $0xFFFFFE00;
	s0 =	sand.u32 $0x1, s11  }
0x5e: {  	s28 =	smul.u32 $0x32000, s0  }
0x5f: {  	s29 =	sshll.u32 s12, $0x9;
	_ =	strace $0x9000004A  }
0x60: {  	s11 =	sand.u32 $0x200, s29;
	_ =	strace $0x8000004B;
	s1 =	sshrl.u32 s28, $0x2  }
0x61: {  	s11 =	sor.u32 $0x18, s11;
	s30 =	rddreg [dreg:$0x5];
	s1 =	sor.u32 $0x418, s1  }
0x62: {  	[tilespmem:s1], [sflag:$0x5] =	stream.indirect.gather [spmem:s2], $0x80, s11, s30, $0x2000b8;
	[tilespmem:$0x19418] =	vst v63  }
0x63: {  	_ =	swait.ge [sflag:s13], $0xC800  }
0x64: {  	p6 =	seq.s32 s8, s15;
	[sflag:s13] =	ssyncset.done $0x0  }
0x65: {  	p1 =	por p6, p1;
	s11 =	sadd.s32 s4, s16;
	[sflag:s13] =	ssyncadd.s32 $0xFFFF3800  }
0x66: {  	p0 =	seq.s32 s15, $0x0;
	s11 =	smul.u32 @p1 $0xC800, s11;
	_ =	strace $0x9000004B  }
0x67: {  	s0 =	sadd.s32 @p1 $0x3, s0;
	s16 =	sadd.s32 @p3 s18, s17;
	_ =	strace @p1 $0x8000004C  }
0x68: {  	s17 =	simm.s32 $0x0;
	s11 =	sshrl.u32 @p1 s11, $0x3;
	s12 =	rddreg [dreg:$0x6]  }
0x69: {  	s17 =	smov.u32 @p3 s16;
	s16 =	simm.s32 @p1 $0x0;
	s11 =	sadd.s32 @p1 s12, s11  }
0x6a: {  	[hbm4b:s11+s16] =	stream.linear.scatter @p1 [tilespmem:s1], [sflag:s0], $0xC800, $0x200038;
	[tilespmem:$0x19418] =	vst v63  }
0x6b: {  	s0 =	sand.u32 @!p0 $0x1, s17;
	p0 =	por p0, p0;
	_ =	strace @p1 $0x9000004C  }
0x6c: {  	s0 =	sadd.s32 @!p0 $0x3, s0;
	_ =	strace @!p0 $0x8000004D  }
0x6d: {  	s1 =	simm.s32 $0x1;
	p1 =	sne.s32 s15, $0x0;
	_ =	swait.ge @!p0 [sflag:s0], $0xC800  }
0x6e: {  	s1 =	simm.s32 @!p1 $0x0;
	[sflag:s0] =	ssyncset.done @!p0 $0x0  }
0x6f: {  	s14 =	sadd.s32 $0x1, s14;
	s1 =	sadd.s32 s1, s17;
	[sflag:s0] =	ssyncadd.s32 @!p0 $0xFFFF3800  }
0x70: {  	s31 =	sand.u32 $0x1, s1;
	_ =	strace @!p0 $0x9000004D;
	p0 =	sne.s32 s14, s9  }
.Ltmp3:
0x71: {  	s0 =	sadd.s32 $0x3, s31;
	_ =	strace $0x8000004E;
	(pc) =	sbr.rel @p0 .LBB2_1-.Ltmp3, $4  }
.Ltmp4:
0x72: {  	_ =	swait.ge [sflag:s0], $0xC800;
	(pc) =	sbr.rel @!p0 .LBB2_7-.Ltmp4, $4  }
0x73: {  	[sflag:s0] =	ssyncset.done $0x0  }
0x74: {  	[sflag:s0] =	ssyncadd.s32 $0xFFFF3800  }
0x75: {  	_ =	strace $0x9000004E  }
0x76: {  	_ = 	snop  }
.LBB2_2:
.Ltmp5:
0x77: {  	(pc) =	sbr.rel .LBB2_6-.Ltmp5, $3  }
0x78: {  	_ =	sdelay $0x1  }
0x79: {  	s15 =	simm.s32 $0x0;
	s19 =	simm.s32 $0x0  }
0x7a: {  	s22 =	simm.s32 $0x0;
	s17 =	simm.s32 $0x0;
	s16 =	simm.s32 $0x0  }
.LBB2_4:
.Ltmp6:
0x7b: {  	(pc) =	sbr.rel .LBB2_6-.Ltmp6, $2  }
0x7c: {  	_ =	sdelay $0x2  }
0x7d: {  	s19 =	simm.s32 $0x0;
	s22 =	simm.s32 $0x0;
	s17 =	simm.s32 $0x0  }
.LBB2_7:
0x7e: {  	_ =	sfence.sel $0x180000  }
0x7f: {  	[bflag:$0x0] =	sbarrier.arrive $0xFFFF  }
0x80: {  	_ =	strace $0x90000047  }
0x81: {  	[bflag:$0x2] =	sbarrier.arrive $0xFFFF  }
0x82: {  	s1 =	sld [smem:$0x7FD];
	_ =	sdelay $0x2  }
0x83: {  	s0 =	rddreg [dreg:$0x4];
	p0 =	seq.s32 s1, $0x1  }
0x84: {  	s0 =	sadd.s32 @!p0 $0x100000, s0  }
0x85: {  	[sflag:s0] =	ssyncadd.tile.s32 @!p0 $0x1;
	_ =	shalt  }
.Lfunc_end2:
_tile_overlayer_lowered:
.L_overlay_start_2:
0x86: {  	(tag) =	ssettag $0x2  }
0x87: {  	s0 =	rddreg [dreg:$0x0];
	s2 =	stileid.u32  }
0x88: {  	s1 =	rddreg [dreg:$0x1];
	p0 =	sne.s32 s2, $0x0  }
0x89: {  	s3 =	rddreg [dreg:$0x2];
	[bflag:$0x3] =	sbarrier.arrive $0xFFFF;
	s2 =	simm.s32 @!p0 $0x1C01  }
0x8a: {  	[timem:s3], [sflag:s2] =	dma.local @!p0 [hbm:s0], s1  }
0x8b: {  	s0 =	simm.s32 @!p0 $0x1  }
0x8c: {  	_ =	swait.ge @!p0 [sflag:s0], s1  }
0x8d: {  	s1 =	ssub.s32 @!p0 $0x0, s1;
	[sflag:s0] =	ssyncset.done @!p0 $0x0  }
0x8e: {  	[sflag:s0] =	ssyncadd.s32 @!p0 s1  }
0x8f: {  	[bflag:$0x3] =	sbarrier.arrive $0xFFFF  }
0x90: {  	_ =	shalt  }

</sc_bundles>
